<compile_context>
chip_gen: v7x
topology: tpu7x:2x2x1
jax: 0.10.2.dev20260603
libtpu: 0.0.44.dev20260713+nightly
codegen_flags: <defaults>
</compile_context>

<pallas_src>
import functools

import numpy as np
import jax
import jax.numpy as jnp
from jax import lax
from jax.experimental import pallas as pl
from jax.experimental.pallas import tpu as pltpu
from jax.experimental.pallas import tpu_sc as plsc

_NUM_FIELDS = 26
_DIM = 16
_B = 16384
_EIN = _NUM_FIELDS * _DIM
_N_IDX = _B * _NUM_FIELDS
_FIELD_SIZE = 100000
_BN_INV = float(1.0 / np.sqrt(1.0 + 1e-5))

_NW = 32
_PER_W = _N_IDX // _NW
_CHUNK = 3328
_NCHUNKS = _PER_W // _CHUNK

_TR_R = 16384


def _tc_transpose(embT):
    v = embT.shape[1]

    def body(in_ref, out_ref):
        x = in_ref[...]
        s_all = jnp.tile(jnp.eye(_DIM, dtype=jnp.float32), (1, 8))
        m = lax.dot_general(x, s_all, (((0,), (0,)), ((), ())),
                            preferred_element_type=jnp.float32)
        m3 = m.reshape(_TR_R // 8, 8, 8 * _DIM)
        lane = lax.broadcasted_iota(jnp.int32, (8, 8 * _DIM), 1) // _DIM
        sub = lax.broadcasted_iota(jnp.int32, (8, 8 * _DIM), 0)
        z = (lane == sub).astype(jnp.float32)
        out_ref[...] = jnp.sum(m3 * z[None], axis=1)

    n_blk = (v + _TR_R - 1) // _TR_R
    return pl.pallas_call(
        body,
        grid=(n_blk,),
        in_specs=[pl.BlockSpec((_DIM, _TR_R), lambda i: (0, i))],
        out_specs=pl.BlockSpec((_TR_R // 8, 8 * _DIM), lambda i: (i, 0)),
        out_shape=jax.ShapeDtypeStruct((v // 8, 8 * _DIM), jnp.float32),
    )(embT)


def _sc_gather(emb_lin, lin_flat, xi):
    mesh = plsc.VectorSubcoreMesh(core_axis_name="c", subcore_axis_name="s")

    @functools.partial(
        pl.kernel,
        mesh=mesh,
        compiler_params=pltpu.CompilerParams(use_tc_tiling_on_sc=False),
        out_type=(
            jax.ShapeDtypeStruct((_N_IDX, _DIM), jnp.float32),
            jax.ShapeDtypeStruct((_N_IDX,), jnp.float32),
        ),
        scratch_types=[
            pltpu.VMEM((_CHUNK,), jnp.int32),
            pltpu.VMEM((_CHUNK, _DIM), jnp.float32),
            pltpu.VMEM((_CHUNK,), jnp.float32),
            pltpu.SemaphoreType.DMA,
            pltpu.SemaphoreType.DMA,
        ],
    )
    def gather_kernel(emb_hbm, lin_hbm, idx_hbm, e_out, l_out,
                      idx_v, rows_v, lrows_v, sem_e, sem_l):
        wid = lax.axis_index("s") * 2 + lax.axis_index("c")
        base = wid * _PER_W
        for j in range(_NCHUNKS):
            off = base + j * _CHUNK
            pltpu.sync_copy(idx_hbm.at[pl.ds(off, _CHUNK)], idx_v)
            cp_e = pltpu.async_copy(emb_hbm.at[idx_v], rows_v, sem_e)
            cp_l = pltpu.async_copy(lin_hbm.at[idx_v], lrows_v, sem_l)
            cp_e.wait()
            cp_l.wait()
            pltpu.sync_copy(rows_v, e_out.at[pl.ds(off, _CHUNK)])
            pltpu.sync_copy(lrows_v, l_out.at[pl.ds(off, _CHUNK)])

    return gather_kernel(emb_lin, lin_flat, xi)


def _tc_body(e_ref, lv_ref, w1c_ref, b1_ref, g1_ref, be1_ref,
             w2_ref, b2_ref, g2_ref, be2_ref, w3_ref, b3_ref, lb_ref,
             o_ref):
    e = e_ref[...]
    h1s = jnp.dot(e, w1c_ref[...], preferred_element_type=jnp.float32)
    h1 = h1s[:, :_DIM]
    s = h1s[:, _DIM:]
    fm = 0.5 * (jnp.sum(s * s, axis=1) - jnp.sum(e * e, axis=1))
    linear = jnp.sum(lv_ref[...], axis=1) + lb_ref[0, 0]
    h = (h1 + b1_ref[...]) * (g1_ref[...] * _BN_INV) + be1_ref[...]
    h = jnp.maximum(h, 0.0)
    h = jnp.dot(h, w2_ref[...], preferred_element_type=jnp.float32)
    h = (h + b2_ref[...]) * (g2_ref[...] * _BN_INV) + be2_ref[...]
    h = jnp.maximum(h, 0.0)
    mlp = jnp.dot(h, w3_ref[...], preferred_element_type=jnp.float32)[:, 0]
    mlp = mlp + b3_ref[0, 0]
    o_ref[...] = linear + fm + mlp


def _tc_compute(e2d, linv, w1c, b1, g1, be1, w2, b2, g2, be2, w3, b3, lin_b):
    bs = 512
    nblk = _B // bs
    full = lambda shape: pl.BlockSpec(shape, lambda i: (0, 0))
    out2d = pl.pallas_call(
        _tc_body,
        grid=(nblk,),
        in_specs=[
            pl.BlockSpec((bs, _EIN), lambda i: (i, 0)),
            pl.BlockSpec((bs, _NUM_FIELDS), lambda i: (i, 0)),
            full((_EIN, 2 * _DIM)),
            full((1, _DIM)), full((1, _DIM)), full((1, _DIM)),
            full((_DIM, _DIM)),
            full((1, _DIM)), full((1, _DIM)), full((1, _DIM)),
            full((_DIM, 1)), full((1, 1)), full((1, 1)),
        ],
        out_specs=pl.BlockSpec((bs,), lambda i: (i,)),
        out_shape=jax.ShapeDtypeStruct((_B,), jnp.float32),
    )(e2d, linv, w1c, b1, g1, be1, w2, b2, g2, be2, w3, b3, lin_b)
    return out2d


def kernel(x, emb, lin_w, lin_b, W1, b1, g1, be1, W2, b2, g2, be2, W3, b3):
    offsets = jnp.arange(_NUM_FIELDS, dtype=x.dtype) * _FIELD_SIZE
    xi = (x + offsets[None, :]).reshape(_N_IDX).astype(jnp.int32)
    emb_lin = _tc_transpose(emb.T).reshape(emb.shape[0], _DIM)
    e_flat, lin_vals = _sc_gather(emb_lin, lin_w.T.reshape(-1), xi)
    sel = jnp.tile(jnp.eye(_DIM, dtype=jnp.float32), (_NUM_FIELDS, 1))
    w1c = jnp.concatenate([W1, sel], axis=1)
    return _tc_compute(
        e_flat.reshape(_B, _EIN), lin_vals.reshape(_B, _NUM_FIELDS),
        w1c, b1.reshape(1, _DIM), g1.reshape(1, _DIM), be1.reshape(1, _DIM),
        W2, b2.reshape(1, _DIM), g2.reshape(1, _DIM), be2.reshape(1, _DIM),
        W3, b3.reshape(1, 1), lin_b.reshape(1, 1))

# --- scband reference (transcript-rebuilt; emitter-appended) ---
"""Pipeline reference for scband-deep-fm-40759239639138 (READ-ONLY COPY).

The authoritative reference and input builder live on the scoring server;
editing this copy changes nothing except your own understanding.
"""

import jax, jax.numpy as jnp
import numpy as np

FIELD_DIMS = [100000] * 26
DIM = 16
B = 16384
EIN = len(FIELD_DIMS) * DIM  # 416
BN_EPS = 1e-5


def setup_inputs(seed: int = 0) -> dict:
    key = jax.random.key(seed)
    ks = jax.random.split(key, 8)
    total = int(sum(FIELD_DIMS))
    x = jax.random.randint(ks[0], (B, len(FIELD_DIMS)), 0, min(FIELD_DIMS), dtype=jnp.int64 if jax.config.jax_enable_x64 else jnp.int32)
    emb = jax.random.normal(ks[1], (total, DIM), dtype=jnp.float32) * 0.01
    lin_w = jax.random.normal(ks[2], (total, 1), dtype=jnp.float32) * 0.01
    lin_b = jnp.zeros((1,), jnp.float32)
    W1 = jax.random.normal(ks[3], (EIN, 16), dtype=jnp.float32) * (1.0 / np.sqrt(EIN))
    b1 = jnp.zeros((16,), jnp.float32)
    g1 = jnp.ones((16,), jnp.float32)
    be1 = jnp.zeros((16,), jnp.float32)
    W2 = jax.random.normal(ks[4], (16, 16), dtype=jnp.float32) * 0.25
    b2 = jnp.zeros((16,), jnp.float32)
    g2 = jnp.ones((16,), jnp.float32)
    be2 = jnp.zeros((16,), jnp.float32)
    W3 = jax.random.normal(ks[5], (16, 1), dtype=jnp.float32) * 0.25
    b3 = jnp.zeros((1,), jnp.float32)
    return {"x": x, "emb": emb, "lin_w": lin_w, "lin_b": lin_b,
            "W1": W1, "b1": b1, "g1": g1, "be1": be1,
            "W2": W2, "b2": b2, "g2": g2, "be2": be2,
            "W3": W3, "b3": b3}


def reference(x, emb, lin_w, lin_b, W1, b1, g1, be1, W2, b2, g2, be2, W3, b3):
    offsets = jnp.asarray(np.array((0, *np.cumsum(FIELD_DIMS)[:-1])), dtype=x.dtype)
    xi = x + offsets[None, :]
    # FeaturesEmbedding: gather [B, F, DIM]
    e = jnp.take(emb, xi, axis=0)
    # FeaturesLinear: sum of 1-dim embeddings + bias -> [B, 1]
    linear = jnp.sum(jnp.take(lin_w, xi, axis=0), axis=1) + lin_b
    # FactorizationMachine (reduce_sum=True): 0.5 * sum((sum e)^2 - sum e^2)
    s = jnp.sum(e, axis=1)
    ssq = jnp.sum(e * e, axis=1)
    fm = 0.5 * jnp.sum(s * s - ssq, axis=1, keepdims=True)
    # MLP (eval mode: dropout off, batchnorm with running_mean=0, running_var=1)
    h = e.reshape(e.shape[0], EIN)
    h = h @ W1 + b1
    h = g1 * (h / jnp.sqrt(1.0 + BN_EPS)) + be1
    h = jax.nn.relu(h)
    h = h @ W2 + b2
    h = g2 * (h / jnp.sqrt(1.0 + BN_EPS)) + be2
    h = jax.nn.relu(h)
    mlp = h @ W3 + b3
    out = linear + fm + mlp
    return out.squeeze(1)

if __name__ == "__main__":
    import jax
    _d = setup_inputs()
    print(jax.jit(kernel)(*tuple(_d.values())))

</pallas_src>

<mosaic_0001>
#map = affine_map<(d0, d1) -> (0, 0)>
#map1 = affine_map<(d0, d1) -> (0)>
module attributes {stable_mosaic.version = 14 : i64} {
  func.func @gather_kernel(%arg0: i32, %arg1: i32, %arg2: memref<2600000x16xf32, #tpu.memory_space<hbm>>, %arg3: memref<2600000xf32, #tpu.memory_space<hbm>>, %arg4: memref<425984xi32, #tpu.memory_space<hbm>>, %arg5: memref<425984x16xf32, #tpu.memory_space<hbm>>, %arg6: memref<425984xf32, #tpu.memory_space<hbm>>, %arg7: memref<3328xi32, #tpu.memory_space<vmem>>, %arg8: memref<3328x16xf32, #tpu.memory_space<vmem>>, %arg9: memref<3328xf32, #tpu.memory_space<vmem>>, %arg10: memref<!tpu.dma_semaphore, #tpu.memory_space<semaphore_mem>>, %arg11: memref<!tpu.dma_semaphore, #tpu.memory_space<semaphore_mem>>) attributes {dimension_semantics = [#tpu.dimension_semantics<core_parallel>, #tpu.dimension_semantics<subcore_parallel>], iteration_bounds = array<i64: 2, 16>, scalar_prefetch = 0 : i64, scratch_operands = 5 : i64, tpu.core_type = #tpu.core_type<sc_vector_subcore>, window_params = [{transform_indices = #map}, {transform_indices = #map1}, {transform_indices = #map1}, {transform_indices = #map}, {transform_indices = #map1}]} {
    %mul3A = arith.constant 2 : i32
    %mul3A_0 = arith.muli %arg1, %mul3A : i32
    %add3A = arith.addi %mul3A_0, %arg0 : i32
    %mul3A_1 = arith.constant 13312 : i32
    %mul3A_2 = arith.muli %add3A, %mul3A_1 : i32
    %add3A_3 = arith.constant 0 : i32
    %add3A_4 = arith.addi %mul3A_2, %add3A_3 : i32
    "tpu.region"() ({
      %run_scoped3A = tpu.sem_alloc : memref<!tpu.dma_semaphore, #tpu.memory_space<semaphore_mem>>
      %dma_start3A_49 = tpu.memref_slice %arg4[%add3A_4] : memref<425984xi32, #tpu.memory_space<hbm>> -> memref<3328xi32, #tpu.memory_space<hbm>>
      %dma_start3A_50 = tpu.memref_slice %arg4[%add3A_4] : memref<425984xi32, #tpu.memory_space<hbm>> -> memref<3328xi32, #tpu.memory_space<hbm>>
      tpu.enqueue_dma source(%dma_start3A_50 : memref<3328xi32, #tpu.memory_space<hbm>>) target(%arg7 : memref<3328xi32, #tpu.memory_space<vmem>>) target_semaphore(%run_scoped3A : memref<!tpu.dma_semaphore, #tpu.memory_space<semaphore_mem>>)
      %dma_wait3A_51 = tpu.memref_slice %arg4[%add3A_4] : memref<425984xi32, #tpu.memory_space<hbm>> -> memref<3328xi32, #tpu.memory_space<hbm>>
      %dma_wait3A_52 = tpu.memref_slice %arg4[%add3A_4] : memref<425984xi32, #tpu.memory_space<hbm>> -> memref<3328xi32, #tpu.memory_space<hbm>>
      tpu.wait_dma2 semaphore(%run_scoped3A : memref<!tpu.dma_semaphore, #tpu.memory_space<semaphore_mem>>) src(%dma_wait3A_52 : memref<3328xi32, #tpu.memory_space<hbm>>) dst(%arg7 : memref<3328xi32, #tpu.memory_space<vmem>>)
      tpu.yield
    }) : () -> ()
    %dma_start3A = arith.constant 0 : i32
    %dma_start3A_5 = arith.constant 0 : i32
    %dma_start3A_6 = tpu.memref_slice %arg2[%dma_start3A, %dma_start3A_5] : memref<2600000x16xf32, #tpu.memory_space<hbm>> -> memref<2600000x16xf32, #tpu.memory_space<hbm>>
    tpu.enqueue_indirect_dma source(%dma_start3A_6 : memref<2600000x16xf32, #tpu.memory_space<hbm>>) target(%arg8 : memref<3328x16xf32, #tpu.memory_space<vmem>>) offsets(%arg7 : memref<3328xi32, #tpu.memory_space<vmem>>) semaphore(%arg10 : memref<!tpu.dma_semaphore, #tpu.memory_space<semaphore_mem>>)
    %dma_start3A_7 = arith.constant 0 : i32
    %dma_start3A_8 = tpu.memref_slice %arg3[%dma_start3A_7] : memref<2600000xf32, #tpu.memory_space<hbm>> -> memref<2600000xf32, #tpu.memory_space<hbm>>
    tpu.enqueue_indirect_dma source(%dma_start3A_8 : memref<2600000xf32, #tpu.memory_space<hbm>>) target(%arg9 : memref<3328xf32, #tpu.memory_space<vmem>>) offsets(%arg7 : memref<3328xi32, #tpu.memory_space<vmem>>) semaphore(%arg11 : memref<!tpu.dma_semaphore, #tpu.memory_space<semaphore_mem>>)
    %dma_wait3A = arith.constant 0 : i32
    %dma_wait3A_9 = arith.constant 0 : i32
    %dma_wait3A_10 = tpu.memref_slice %arg2[%dma_wait3A, %dma_wait3A_9] : memref<2600000x16xf32, #tpu.memory_space<hbm>> -> memref<2600000x16xf32, #tpu.memory_space<hbm>>
    tpu.wait_indirect_dma semaphore(%arg10 : memref<!tpu.dma_semaphore, #tpu.memory_space<semaphore_mem>>) src(%dma_wait3A_10 : memref<2600000x16xf32, #tpu.memory_space<hbm>>) dst(%arg8 : memref<3328x16xf32, #tpu.memory_space<vmem>>)
    %dma_wait3A_11 = arith.constant 0 : i32
    %dma_wait3A_12 = tpu.memref_slice %arg3[%dma_wait3A_11] : memref<2600000xf32, #tpu.memory_space<hbm>> -> memref<2600000xf32, #tpu.memory_space<hbm>>
    tpu.wait_indirect_dma semaphore(%arg11 : memref<!tpu.dma_semaphore, #tpu.memory_space<semaphore_mem>>) src(%dma_wait3A_12 : memref<2600000xf32, #tpu.memory_space<hbm>>) dst(%arg9 : memref<3328xf32, #tpu.memory_space<vmem>>)
    "tpu.region"() ({
      %run_scoped3A = tpu.sem_alloc : memref<!tpu.dma_semaphore, #tpu.memory_space<semaphore_mem>>
      %dma_start3A_49 = arith.constant 0 : i32
      %dma_start3A_50 = tpu.memref_slice %arg5[%add3A_4, %dma_start3A_49] : memref<425984x16xf32, #tpu.memory_space<hbm>> -> memref<3328x16xf32, #tpu.memory_space<hbm>>
      %dma_start3A_51 = arith.constant 0 : i32
      %dma_start3A_52 = tpu.memref_slice %arg5[%add3A_4, %dma_start3A_51] : memref<425984x16xf32, #tpu.memory_space<hbm>> -> memref<3328x16xf32, #tpu.memory_space<hbm>>
      tpu.enqueue_dma source(%arg8 : memref<3328x16xf32, #tpu.memory_space<vmem>>) target(%dma_start3A_52 : memref<3328x16xf32, #tpu.memory_space<hbm>>) target_semaphore(%run_scoped3A : memref<!tpu.dma_semaphore, #tpu.memory_space<semaphore_mem>>)
      %dma_wait3A_53 = arith.constant 0 : i32
      %dma_wait3A_54 = tpu.memref_slice %arg5[%add3A_4, %dma_wait3A_53] : memref<425984x16xf32, #tpu.memory_space<hbm>> -> memref<3328x16xf32, #tpu.memory_space<hbm>>
      %dma_wait3A_55 = arith.constant 0 : i32
      %dma_wait3A_56 = tpu.memref_slice %arg5[%add3A_4, %dma_wait3A_55] : memref<425984x16xf32, #tpu.memory_space<hbm>> -> memref<3328x16xf32, #tpu.memory_space<hbm>>
      tpu.wait_dma2 semaphore(%run_scoped3A : memref<!tpu.dma_semaphore, #tpu.memory_space<semaphore_mem>>) src(%arg8 : memref<3328x16xf32, #tpu.memory_space<vmem>>) dst(%dma_wait3A_56 : memref<3328x16xf32, #tpu.memory_space<hbm>>)
      tpu.yield
    }) : () -> ()
    "tpu.region"() ({
      %run_scoped3A = tpu.sem_alloc : memref<!tpu.dma_semaphore, #tpu.memory_space<semaphore_mem>>
      %dma_start3A_49 = tpu.memref_slice %arg6[%add3A_4] : memref<425984xf32, #tpu.memory_space<hbm>> -> memref<3328xf32, #tpu.memory_space<hbm>>
      %dma_start3A_50 = tpu.memref_slice %arg6[%add3A_4] : memref<425984xf32, #tpu.memory_space<hbm>> -> memref<3328xf32, #tpu.memory_space<hbm>>
      tpu.enqueue_dma source(%arg9 : memref<3328xf32, #tpu.memory_space<vmem>>) target(%dma_start3A_50 : memref<3328xf32, #tpu.memory_space<hbm>>) target_semaphore(%run_scoped3A : memref<!tpu.dma_semaphore, #tpu.memory_space<semaphore_mem>>)
      %dma_wait3A_51 = tpu.memref_slice %arg6[%add3A_4] : memref<425984xf32, #tpu.memory_space<hbm>> -> memref<3328xf32, #tpu.memory_space<hbm>>
      %dma_wait3A_52 = tpu.memref_slice %arg6[%add3A_4] : memref<425984xf32, #tpu.memory_space<hbm>> -> memref<3328xf32, #tpu.memory_space<hbm>>
      tpu.wait_dma2 semaphore(%run_scoped3A : memref<!tpu.dma_semaphore, #tpu.memory_space<semaphore_mem>>) src(%arg9 : memref<3328xf32, #tpu.memory_space<vmem>>) dst(%dma_wait3A_52 : memref<3328xf32, #tpu.memory_space<hbm>>)
      tpu.yield
    }) : () -> ()
    %add3A_13 = arith.constant 3328 : i32
    %add3A_14 = arith.addi %mul3A_2, %add3A_13 : i32
    "tpu.region"() ({
      %run_scoped3A = tpu.sem_alloc : memref<!tpu.dma_semaphore, #tpu.memory_space<semaphore_mem>>
      %dma_start3A_49 = tpu.memref_slice %arg4[%add3A_14] : memref<425984xi32, #tpu.memory_space<hbm>> -> memref<3328xi32, #tpu.memory_space<hbm>>
      %dma_start3A_50 = tpu.memref_slice %arg4[%add3A_14] : memref<425984xi32, #tpu.memory_space<hbm>> -> memref<3328xi32, #tpu.memory_space<hbm>>
      tpu.enqueue_dma source(%dma_start3A_50 : memref<3328xi32, #tpu.memory_space<hbm>>) target(%arg7 : memref<3328xi32, #tpu.memory_space<vmem>>) target_semaphore(%run_scoped3A : memref<!tpu.dma_semaphore, #tpu.memory_space<semaphore_mem>>)
      %dma_wait3A_51 = tpu.memref_slice %arg4[%add3A_14] : memref<425984xi32, #tpu.memory_space<hbm>> -> memref<3328xi32, #tpu.memory_space<hbm>>
      %dma_wait3A_52 = tpu.memref_slice %arg4[%add3A_14] : memref<425984xi32, #tpu.memory_space<hbm>> -> memref<3328xi32, #tpu.memory_space<hbm>>
      tpu.wait_dma2 semaphore(%run_scoped3A : memref<!tpu.dma_semaphore, #tpu.memory_space<semaphore_mem>>) src(%dma_wait3A_52 : memref<3328xi32, #tpu.memory_space<hbm>>) dst(%arg7 : memref<3328xi32, #tpu.memory_space<vmem>>)
      tpu.yield
    }) : () -> ()
    %dma_start3A_15 = arith.constant 0 : i32
    %dma_start3A_16 = arith.constant 0 : i32
    %dma_start3A_17 = tpu.memref_slice %arg2[%dma_start3A_15, %dma_start3A_16] : memref<2600000x16xf32, #tpu.memory_space<hbm>> -> memref<2600000x16xf32, #tpu.memory_space<hbm>>
    tpu.enqueue_indirect_dma source(%dma_start3A_17 : memref<2600000x16xf32, #tpu.memory_space<hbm>>) target(%arg8 : memref<3328x16xf32, #tpu.memory_space<vmem>>) offsets(%arg7 : memref<3328xi32, #tpu.memory_space<vmem>>) semaphore(%arg10 : memref<!tpu.dma_semaphore, #tpu.memory_space<semaphore_mem>>)
    %dma_start3A_18 = arith.constant 0 : i32
    %dma_start3A_19 = tpu.memref_slice %arg3[%dma_start3A_18] : memref<2600000xf32, #tpu.memory_space<hbm>> -> memref<2600000xf32, #tpu.memory_space<hbm>>
    tpu.enqueue_indirect_dma source(%dma_start3A_19 : memref<2600000xf32, #tpu.memory_space<hbm>>) target(%arg9 : memref<3328xf32, #tpu.memory_space<vmem>>) offsets(%arg7 : memref<3328xi32, #tpu.memory_space<vmem>>) semaphore(%arg11 : memref<!tpu.dma_semaphore, #tpu.memory_space<semaphore_mem>>)
    %dma_wait3A_20 = arith.constant 0 : i32
    %dma_wait3A_21 = arith.constant 0 : i32
    %dma_wait3A_22 = tpu.memref_slice %arg2[%dma_wait3A_20, %dma_wait3A_21] : memref<2600000x16xf32, #tpu.memory_space<hbm>> -> memref<2600000x16xf32, #tpu.memory_space<hbm>>
    tpu.wait_indirect_dma semaphore(%arg10 : memref<!tpu.dma_semaphore, #tpu.memory_space<semaphore_mem>>) src(%dma_wait3A_22 : memref<2600000x16xf32, #tpu.memory_space<hbm>>) dst(%arg8 : memref<3328x16xf32, #tpu.memory_space<vmem>>)
    %dma_wait3A_23 = arith.constant 0 : i32
    %dma_wait3A_24 = tpu.memref_slice %arg3[%dma_wait3A_23] : memref<2600000xf32, #tpu.memory_space<hbm>> -> memref<2600000xf32, #tpu.memory_space<hbm>>
    tpu.wait_indirect_dma semaphore(%arg11 : memref<!tpu.dma_semaphore, #tpu.memory_space<semaphore_mem>>) src(%dma_wait3A_24 : memref<2600000xf32, #tpu.memory_space<hbm>>) dst(%arg9 : memref<3328xf32, #tpu.memory_space<vmem>>)
    "tpu.region"() ({
      %run_scoped3A = tpu.sem_alloc : memref<!tpu.dma_semaphore, #tpu.memory_space<semaphore_mem>>
      %dma_start3A_49 = arith.constant 0 : i32
      %dma_start3A_50 = tpu.memref_slice %arg5[%add3A_14, %dma_start3A_49] : memref<425984x16xf32, #tpu.memory_space<hbm>> -> memref<3328x16xf32, #tpu.memory_space<hbm>>
      %dma_start3A_51 = arith.constant 0 : i32
      %dma_start3A_52 = tpu.memref_slice %arg5[%add3A_14, %dma_start3A_51] : memref<425984x16xf32, #tpu.memory_space<hbm>> -> memref<3328x16xf32, #tpu.memory_space<hbm>>
      tpu.enqueue_dma source(%arg8 : memref<3328x16xf32, #tpu.memory_space<vmem>>) target(%dma_start3A_52 : memref<3328x16xf32, #tpu.memory_space<hbm>>) target_semaphore(%run_scoped3A : memref<!tpu.dma_semaphore, #tpu.memory_space<semaphore_mem>>)
      %dma_wait3A_53 = arith.constant 0 : i32
      %dma_wait3A_54 = tpu.memref_slice %arg5[%add3A_14, %dma_wait3A_53] : memref<425984x16xf32, #tpu.memory_space<hbm>> -> memref<3328x16xf32, #tpu.memory_space<hbm>>
      %dma_wait3A_55 = arith.constant 0 : i32
      %dma_wait3A_56 = tpu.memref_slice %arg5[%add3A_14, %dma_wait3A_55] : memref<425984x16xf32, #tpu.memory_space<hbm>> -> memref<3328x16xf32, #tpu.memory_space<hbm>>
      tpu.wait_dma2 semaphore(%run_scoped3A : memref<!tpu.dma_semaphore, #tpu.memory_space<semaphore_mem>>) src(%arg8 : memref<3328x16xf32, #tpu.memory_space<vmem>>) dst(%dma_wait3A_56 : memref<3328x16xf32, #tpu.memory_space<hbm>>)
      tpu.yield
    }) : () -> ()
    "tpu.region"() ({
      %run_scoped3A = tpu.sem_alloc : memref<!tpu.dma_semaphore, #tpu.memory_space<semaphore_mem>>
      %dma_start3A_49 = tpu.memref_slice %arg6[%add3A_14] : memref<425984xf32, #tpu.memory_space<hbm>> -> memref<3328xf32, #tpu.memory_space<hbm>>
      %dma_start3A_50 = tpu.memref_slice %arg6[%add3A_14] : memref<425984xf32, #tpu.memory_space<hbm>> -> memref<3328xf32, #tpu.memory_space<hbm>>
      tpu.enqueue_dma source(%arg9 : memref<3328xf32, #tpu.memory_space<vmem>>) target(%dma_start3A_50 : memref<3328xf32, #tpu.memory_space<hbm>>) target_semaphore(%run_scoped3A : memref<!tpu.dma_semaphore, #tpu.memory_space<semaphore_mem>>)
      %dma_wait3A_51 = tpu.memref_slice %arg6[%add3A_14] : memref<425984xf32, #tpu.memory_space<hbm>> -> memref<3328xf32, #tpu.memory_space<hbm>>
      %dma_wait3A_52 = tpu.memref_slice %arg6[%add3A_14] : memref<425984xf32, #tpu.memory_space<hbm>> -> memref<3328xf32, #tpu.memory_space<hbm>>
      tpu.wait_dma2 semaphore(%run_scoped3A : memref<!tpu.dma_semaphore, #tpu.memory_space<semaphore_mem>>) src(%arg9 : memref<3328xf32, #tpu.memory_space<vmem>>) dst(%dma_wait3A_52 : memref<3328xf32, #tpu.memory_space<hbm>>)
      tpu.yield
    }) : () -> ()
    %add3A_25 = arith.constant 6656 : i32
    %add3A_26 = arith.addi %mul3A_2, %add3A_25 : i32
    "tpu.region"() ({
      %run_scoped3A = tpu.sem_alloc : memref<!tpu.dma_semaphore, #tpu.memory_space<semaphore_mem>>
      %dma_start3A_49 = tpu.memref_slice %arg4[%add3A_26] : memref<425984xi32, #tpu.memory_space<hbm>> -> memref<3328xi32, #tpu.memory_space<hbm>>
      %dma_start3A_50 = tpu.memref_slice %arg4[%add3A_26] : memref<425984xi32, #tpu.memory_space<hbm>> -> memref<3328xi32, #tpu.memory_space<hbm>>
      tpu.enqueue_dma source(%dma_start3A_50 : memref<3328xi32, #tpu.memory_space<hbm>>) target(%arg7 : memref<3328xi32, #tpu.memory_space<vmem>>) target_semaphore(%run_scoped3A : memref<!tpu.dma_semaphore, #tpu.memory_space<semaphore_mem>>)
      %dma_wait3A_51 = tpu.memref_slice %arg4[%add3A_26] : memref<425984xi32, #tpu.memory_space<hbm>> -> memref<3328xi32, #tpu.memory_space<hbm>>
      %dma_wait3A_52 = tpu.memref_slice %arg4[%add3A_26] : memref<425984xi32, #tpu.memory_space<hbm>> -> memref<3328xi32, #tpu.memory_space<hbm>>
      tpu.wait_dma2 semaphore(%run_scoped3A : memref<!tpu.dma_semaphore, #tpu.memory_space<semaphore_mem>>) src(%dma_wait3A_52 : memref<3328xi32, #tpu.memory_space<hbm>>) dst(%arg7 : memref<3328xi32, #tpu.memory_space<vmem>>)
      tpu.yield
    }) : () -> ()
    %dma_start3A_27 = arith.constant 0 : i32
    %dma_start3A_28 = arith.constant 0 : i32
    %dma_start3A_29 = tpu.memref_slice %arg2[%dma_start3A_27, %dma_start3A_28] : memref<2600000x16xf32, #tpu.memory_space<hbm>> -> memref<2600000x16xf32, #tpu.memory_space<hbm>>
    tpu.enqueue_indirect_dma source(%dma_start3A_29 : memref<2600000x16xf32, #tpu.memory_space<hbm>>) target(%arg8 : memref<3328x16xf32, #tpu.memory_space<vmem>>) offsets(%arg7 : memref<3328xi32, #tpu.memory_space<vmem>>) semaphore(%arg10 : memref<!tpu.dma_semaphore, #tpu.memory_space<semaphore_mem>>)
    %dma_start3A_30 = arith.constant 0 : i32
    %dma_start3A_31 = tpu.memref_slice %arg3[%dma_start3A_30] : memref<2600000xf32, #tpu.memory_space<hbm>> -> memref<2600000xf32, #tpu.memory_space<hbm>>
    tpu.enqueue_indirect_dma source(%dma_start3A_31 : memref<2600000xf32, #tpu.memory_space<hbm>>) target(%arg9 : memref<3328xf32, #tpu.memory_space<vmem>>) offsets(%arg7 : memref<3328xi32, #tpu.memory_space<vmem>>) semaphore(%arg11 : memref<!tpu.dma_semaphore, #tpu.memory_space<semaphore_mem>>)
    %dma_wait3A_32 = arith.constant 0 : i32
    %dma_wait3A_33 = arith.constant 0 : i32
    %dma_wait3A_34 = tpu.memref_slice %arg2[%dma_wait3A_32, %dma_wait3A_33] : memref<2600000x16xf32, #tpu.memory_space<hbm>> -> memref<2600000x16xf32, #tpu.memory_space<hbm>>
    tpu.wait_indirect_dma semaphore(%arg10 : memref<!tpu.dma_semaphore, #tpu.memory_space<semaphore_mem>>) src(%dma_wait3A_34 : memref<2600000x16xf32, #tpu.memory_space<hbm>>) dst(%arg8 : memref<3328x16xf32, #tpu.memory_space<vmem>>)
    %dma_wait3A_35 = arith.constant 0 : i32
    %dma_wait3A_36 = tpu.memref_slice %arg3[%dma_wait3A_35] : memref<2600000xf32, #tpu.memory_space<hbm>> -> memref<2600000xf32, #tpu.memory_space<hbm>>
    tpu.wait_indirect_dma semaphore(%arg11 : memref<!tpu.dma_semaphore, #tpu.memory_space<semaphore_mem>>) src(%dma_wait3A_36 : memref<2600000xf32, #tpu.memory_space<hbm>>) dst(%arg9 : memref<3328xf32, #tpu.memory_space<vmem>>)
    "tpu.region"() ({
      %run_scoped3A = tpu.sem_alloc : memref<!tpu.dma_semaphore, #tpu.memory_space<semaphore_mem>>
      %dma_start3A_49 = arith.constant 0 : i32
      %dma_start3A_50 = tpu.memref_slice %arg5[%add3A_26, %dma_start3A_49] : memref<425984x16xf32, #tpu.memory_space<hbm>> -> memref<3328x16xf32, #tpu.memory_space<hbm>>
      %dma_start3A_51 = arith.constant 0 : i32
      %dma_start3A_52 = tpu.memref_slice %arg5[%add3A_26, %dma_start3A_51] : memref<425984x16xf32, #tpu.memory_space<hbm>> -> memref<3328x16xf32, #tpu.memory_space<hbm>>
      tpu.enqueue_dma source(%arg8 : memref<3328x16xf32, #tpu.memory_space<vmem>>) target(%dma_start3A_52 : memref<3328x16xf32, #tpu.memory_space<hbm>>) target_semaphore(%run_scoped3A : memref<!tpu.dma_semaphore, #tpu.memory_space<semaphore_mem>>)
      %dma_wait3A_53 = arith.constant 0 : i32
      %dma_wait3A_54 = tpu.memref_slice %arg5[%add3A_26, %dma_wait3A_53] : memref<425984x16xf32, #tpu.memory_space<hbm>> -> memref<3328x16xf32, #tpu.memory_space<hbm>>
      %dma_wait3A_55 = arith.constant 0 : i32
      %dma_wait3A_56 = tpu.memref_slice %arg5[%add3A_26, %dma_wait3A_55] : memref<425984x16xf32, #tpu.memory_space<hbm>> -> memref<3328x16xf32, #tpu.memory_space<hbm>>
      tpu.wait_dma2 semaphore(%run_scoped3A : memref<!tpu.dma_semaphore, #tpu.memory_space<semaphore_mem>>) src(%arg8 : memref<3328x16xf32, #tpu.memory_space<vmem>>) dst(%dma_wait3A_56 : memref<3328x16xf32, #tpu.memory_space<hbm>>)
      tpu.yield
    }) : () -> ()
    "tpu.region"() ({
      %run_scoped3A = tpu.sem_alloc : memref<!tpu.dma_semaphore, #tpu.memory_space<semaphore_mem>>
      %dma_start3A_49 = tpu.memref_slice %arg6[%add3A_26] : memref<425984xf32, #tpu.memory_space<hbm>> -> memref<3328xf32, #tpu.memory_space<hbm>>
      %dma_start3A_50 = tpu.memref_slice %arg6[%add3A_26] : memref<425984xf32, #tpu.memory_space<hbm>> -> memref<3328xf32, #tpu.memory_space<hbm>>
      tpu.enqueue_dma source(%arg9 : memref<3328xf32, #tpu.memory_space<vmem>>) target(%dma_start3A_50 : memref<3328xf32, #tpu.memory_space<hbm>>) target_semaphore(%run_scoped3A : memref<!tpu.dma_semaphore, #tpu.memory_space<semaphore_mem>>)
      %dma_wait3A_51 = tpu.memref_slice %arg6[%add3A_26] : memref<425984xf32, #tpu.memory_space<hbm>> -> memref<3328xf32, #tpu.memory_space<hbm>>
      %dma_wait3A_52 = tpu.memref_slice %arg6[%add3A_26] : memref<425984xf32, #tpu.memory_space<hbm>> -> memref<3328xf32, #tpu.memory_space<hbm>>
      tpu.wait_dma2 semaphore(%run_scoped3A : memref<!tpu.dma_semaphore, #tpu.memory_space<semaphore_mem>>) src(%arg9 : memref<3328xf32, #tpu.memory_space<vmem>>) dst(%dma_wait3A_52 : memref<3328xf32, #tpu.memory_space<hbm>>)
      tpu.yield
    }) : () -> ()
    %add3A_37 = arith.constant 9984 : i32
    %add3A_38 = arith.addi %mul3A_2, %add3A_37 : i32
    "tpu.region"() ({
      %run_scoped3A = tpu.sem_alloc : memref<!tpu.dma_semaphore, #tpu.memory_space<semaphore_mem>>
      %dma_start3A_49 = tpu.memref_slice %arg4[%add3A_38] : memref<425984xi32, #tpu.memory_space<hbm>> -> memref<3328xi32, #tpu.memory_space<hbm>>
      %dma_start3A_50 = tpu.memref_slice %arg4[%add3A_38] : memref<425984xi32, #tpu.memory_space<hbm>> -> memref<3328xi32, #tpu.memory_space<hbm>>
      tpu.enqueue_dma source(%dma_start3A_50 : memref<3328xi32, #tpu.memory_space<hbm>>) target(%arg7 : memref<3328xi32, #tpu.memory_space<vmem>>) target_semaphore(%run_scoped3A : memref<!tpu.dma_semaphore, #tpu.memory_space<semaphore_mem>>)
      %dma_wait3A_51 = tpu.memref_slice %arg4[%add3A_38] : memref<425984xi32, #tpu.memory_space<hbm>> -> memref<3328xi32, #tpu.memory_space<hbm>>
      %dma_wait3A_52 = tpu.memref_slice %arg4[%add3A_38] : memref<425984xi32, #tpu.memory_space<hbm>> -> memref<3328xi32, #tpu.memory_space<hbm>>
      tpu.wait_dma2 semaphore(%run_scoped3A : memref<!tpu.dma_semaphore, #tpu.memory_space<semaphore_mem>>) src(%dma_wait3A_52 : memref<3328xi32, #tpu.memory_space<hbm>>) dst(%arg7 : memref<3328xi32, #tpu.memory_space<vmem>>)
      tpu.yield
    }) : () -> ()
    %dma_start3A_39 = arith.constant 0 : i32
    %dma_start3A_40 = arith.constant 0 : i32
    %dma_start3A_41 = tpu.memref_slice %arg2[%dma_start3A_39, %dma_start3A_40] : memref<2600000x16xf32, #tpu.memory_space<hbm>> -> memref<2600000x16xf32, #tpu.memory_space<hbm>>
    tpu.enqueue_indirect_dma source(%dma_start3A_41 : memref<2600000x16xf32, #tpu.memory_space<hbm>>) target(%arg8 : memref<3328x16xf32, #tpu.memory_space<vmem>>) offsets(%arg7 : memref<3328xi32, #tpu.memory_space<vmem>>) semaphore(%arg10 : memref<!tpu.dma_semaphore, #tpu.memory_space<semaphore_mem>>)
    %dma_start3A_42 = arith.constant 0 : i32
    %dma_start3A_43 = tpu.memref_slice %arg3[%dma_start3A_42] : memref<2600000xf32, #tpu.memory_space<hbm>> -> memref<2600000xf32, #tpu.memory_space<hbm>>
    tpu.enqueue_indirect_dma source(%dma_start3A_43 : memref<2600000xf32, #tpu.memory_space<hbm>>) target(%arg9 : memref<3328xf32, #tpu.memory_space<vmem>>) offsets(%arg7 : memref<3328xi32, #tpu.memory_space<vmem>>) semaphore(%arg11 : memref<!tpu.dma_semaphore, #tpu.memory_space<semaphore_mem>>)
    %dma_wait3A_44 = arith.constant 0 : i32
    %dma_wait3A_45 = arith.constant 0 : i32
    %dma_wait3A_46 = tpu.memref_slice %arg2[%dma_wait3A_44, %dma_wait3A_45] : memref<2600000x16xf32, #tpu.memory_space<hbm>> -> memref<2600000x16xf32, #tpu.memory_space<hbm>>
    tpu.wait_indirect_dma semaphore(%arg10 : memref<!tpu.dma_semaphore, #tpu.memory_space<semaphore_mem>>) src(%dma_wait3A_46 : memref<2600000x16xf32, #tpu.memory_space<hbm>>) dst(%arg8 : memref<3328x16xf32, #tpu.memory_space<vmem>>)
    %dma_wait3A_47 = arith.constant 0 : i32
    %dma_wait3A_48 = tpu.memref_slice %arg3[%dma_wait3A_47] : memref<2600000xf32, #tpu.memory_space<hbm>> -> memref<2600000xf32, #tpu.memory_space<hbm>>
    tpu.wait_indirect_dma semaphore(%arg11 : memref<!tpu.dma_semaphore, #tpu.memory_space<semaphore_mem>>) src(%dma_wait3A_48 : memref<2600000xf32, #tpu.memory_space<hbm>>) dst(%arg9 : memref<3328xf32, #tpu.memory_space<vmem>>)
    "tpu.region"() ({
      %run_scoped3A = tpu.sem_alloc : memref<!tpu.dma_semaphore, #tpu.memory_space<semaphore_mem>>
      %dma_start3A_49 = arith.constant 0 : i32
      %dma_start3A_50 = tpu.memref_slice %arg5[%add3A_38, %dma_start3A_49] : memref<425984x16xf32, #tpu.memory_space<hbm>> -> memref<3328x16xf32, #tpu.memory_space<hbm>>
      %dma_start3A_51 = arith.constant 0 : i32
      %dma_start3A_52 = tpu.memref_slice %arg5[%add3A_38, %dma_start3A_51] : memref<425984x16xf32, #tpu.memory_space<hbm>> -> memref<3328x16xf32, #tpu.memory_space<hbm>>
      tpu.enqueue_dma source(%arg8 : memref<3328x16xf32, #tpu.memory_space<vmem>>) target(%dma_start3A_52 : memref<3328x16xf32, #tpu.memory_space<hbm>>) target_semaphore(%run_scoped3A : memref<!tpu.dma_semaphore, #tpu.memory_space<semaphore_mem>>)
      %dma_wait3A_53 = arith.constant 0 : i32
      %dma_wait3A_54 = tpu.memref_slice %arg5[%add3A_38, %dma_wait3A_53] : memref<425984x16xf32, #tpu.memory_space<hbm>> -> memref<3328x16xf32, #tpu.memory_space<hbm>>
      %dma_wait3A_55 = arith.constant 0 : i32
      %dma_wait3A_56 = tpu.memref_slice %arg5[%add3A_38, %dma_wait3A_55] : memref<425984x16xf32, #tpu.memory_space<hbm>> -> memref<3328x16xf32, #tpu.memory_space<hbm>>
      tpu.wait_dma2 semaphore(%run_scoped3A : memref<!tpu.dma_semaphore, #tpu.memory_space<semaphore_mem>>) src(%arg8 : memref<3328x16xf32, #tpu.memory_space<vmem>>) dst(%dma_wait3A_56 : memref<3328x16xf32, #tpu.memory_space<hbm>>)
      tpu.yield
    }) : () -> ()
    "tpu.region"() ({
      %run_scoped3A = tpu.sem_alloc : memref<!tpu.dma_semaphore, #tpu.memory_space<semaphore_mem>>
      %dma_start3A_49 = tpu.memref_slice %arg6[%add3A_38] : memref<425984xf32, #tpu.memory_space<hbm>> -> memref<3328xf32, #tpu.memory_space<hbm>>
      %dma_start3A_50 = tpu.memref_slice %arg6[%add3A_38] : memref<425984xf32, #tpu.memory_space<hbm>> -> memref<3328xf32, #tpu.memory_space<hbm>>
      tpu.enqueue_dma source(%arg9 : memref<3328xf32, #tpu.memory_space<vmem>>) target(%dma_start3A_50 : memref<3328xf32, #tpu.memory_space<hbm>>) target_semaphore(%run_scoped3A : memref<!tpu.dma_semaphore, #tpu.memory_space<semaphore_mem>>)
      %dma_wait3A_51 = tpu.memref_slice %arg6[%add3A_38] : memref<425984xf32, #tpu.memory_space<hbm>> -> memref<3328xf32, #tpu.memory_space<hbm>>
      %dma_wait3A_52 = tpu.memref_slice %arg6[%add3A_38] : memref<425984xf32, #tpu.memory_space<hbm>> -> memref<3328xf32, #tpu.memory_space<hbm>>
      tpu.wait_dma2 semaphore(%run_scoped3A : memref<!tpu.dma_semaphore, #tpu.memory_space<semaphore_mem>>) src(%arg9 : memref<3328xf32, #tpu.memory_space<vmem>>) dst(%dma_wait3A_52 : memref<3328xf32, #tpu.memory_space<hbm>>)
      tpu.yield
    }) : () -> ()
    return
  }
}

module attributes {stable_mosaic.version = 14 : i64} {
  func.func @body(%arg0: i32, %arg1: memref<16x16384xf32, #tpu.memory_space<vmem>>, %arg2: memref<2048x128xf32, #tpu.memory_space<vmem>>) attributes {dimension_semantics = [#tpu.dimension_semantics<arbitrary>], iteration_bounds = array<i64: 159>, scalar_prefetch = 0 : i64, scratch_operands = 0 : i64, tpu.core_type = #tpu.core_type<tc>, window_params = [{transform_indices = @transform_0, window_bounds = array<i64: 16, 16384>}, {transform_indices = @transform_1, window_bounds = array<i64: 2048, 128>}]} {
    %get3A = arith.constant 0 : index
    %get3A_0 = arith.constant 0 : index
    %get3A_1 = vector.load %arg1[%get3A, %get3A_0] : memref<16x16384xf32, #tpu.memory_space<vmem>>, vector<16x16384xf32>
    %iota3A = tpu.iota {dimensions = array<i32: 0>} : vector<16x16xi32>
    %iota3A_2 = tpu.iota {dimensions = array<i32: 1>} : vector<16x16xi32>
    %add3A = arith.constant 0 : i32
    %add3A_3 = vector.broadcast %add3A : i32 to vector<16x16xi32>
    %add3A_4 = arith.addi %iota3A, %add3A_3 : vector<16x16xi32>
    %eq3A = arith.cmpi eq, %add3A_4, %iota3A_2 : vector<16x16xi32>
    %convert_element_type3A = arith.extui %eq3A : vector<16x16xi1> to vector<16x16xi32>
    %convert_element_type3A_5 = arith.sitofp %convert_element_type3A : vector<16x16xi32> to vector<16x16xf32>
    %tile3A = tpu.concatenate %convert_element_type3A_5, %convert_element_type3A_5, %convert_element_type3A_5, %convert_element_type3A_5, %convert_element_type3A_5, %convert_element_type3A_5, %convert_element_type3A_5, %convert_element_type3A_5 in 1 : vector<16x16xf32>, vector<16x16xf32>, vector<16x16xf32>, vector<16x16xf32>, vector<16x16xf32>, vector<16x16xf32>, vector<16x16xf32>, vector<16x16xf32> -> vector<16x128xf32>
    %dot_general3A = arith.constant dense<0.000000e+00> : vector<16384x128xf32>
    %dot_general3A_6 = tpu.matmul %get3A_1, %tile3A, %dot_general3A {dimension_numbers = #tpu.dot_dimension_numbers<[0], [0], [1], [1], [0, 1, 1, 1], [], []>, transpose_lhs_hint = false} : vector<16x16384xf32>, vector<16x128xf32>, vector<16384x128xf32> -> vector<16384x128xf32>
    %reshape3A = vector.shape_cast %dot_general3A_6 : vector<16384x128xf32> to vector<2048x8x128xf32>
    %iota3A_7 = tpu.iota {dimensions = array<i32: 1>} : vector<8x128xi32>
    %jit3A = arith.constant 16 : i32
    %div3A = vector.broadcast %jit3A : i32 to vector<8x128xi32>
    %div3A_8 = arith.divsi %iota3A_7, %div3A : vector<8x128xi32>
    %sign3A = arith.constant 0 : i32
    %sign3A_9 = vector.broadcast %sign3A : i32 to vector<8x128xi32>
    %sign3A_10 = arith.cmpi sgt, %iota3A_7, %sign3A_9 : vector<8x128xi32>
    %sign3A_11 = arith.extui %sign3A_10 : vector<8x128xi1> to vector<8x128xi32>
    %sign3A_12 = arith.constant 0 : i32
    %sign3A_13 = vector.broadcast %sign3A_12 : i32 to vector<8x128xi32>
    %sign3A_14 = arith.cmpi slt, %iota3A_7, %sign3A_13 : vector<8x128xi32>
    %sign3A_15 = arith.extui %sign3A_14 : vector<8x128xi1> to vector<8x128xi32>
    %sign3A_16 = arith.subi %sign3A_11, %sign3A_15 : vector<8x128xi32>
    %sign3A_17 = arith.constant 0 : i32
    %sign3A_18 = arith.cmpi sgt, %jit3A, %sign3A_17 : i32
    %sign3A_19 = arith.extui %sign3A_18 : i1 to i32
    %sign3A_20 = arith.constant 0 : i32
    %sign3A_21 = arith.cmpi slt, %jit3A, %sign3A_20 : i32
    %sign3A_22 = arith.extui %sign3A_21 : i1 to i32
    %sign3A_23 = arith.subi %sign3A_19, %sign3A_22 : i32
    %ne3A = vector.broadcast %sign3A_23 : i32 to vector<8x128xi32>
    %ne3A_24 = arith.cmpi ne, %sign3A_16, %ne3A : vector<8x128xi32>
    %rem3A = vector.broadcast %jit3A : i32 to vector<8x128xi32>
    %rem3A_25 = arith.remsi %iota3A_7, %rem3A : vector<8x128xi32>
    %ne3A_26 = arith.constant 0 : i32
    %ne3A_27 = vector.broadcast %ne3A_26 : i32 to vector<8x128xi32>
    %ne3A_28 = arith.cmpi ne, %rem3A_25, %ne3A_27 : vector<8x128xi32>
    %and3A = arith.andi %ne3A_24, %ne3A_28 : vector<8x128xi1>
    %sub3A = arith.constant 1 : i32
    %sub3A_29 = vector.broadcast %sub3A : i32 to vector<8x128xi32>
    %sub3A_30 = arith.subi %div3A_8, %sub3A_29 : vector<8x128xi32>
    %select_n3A = arith.select %and3A, %sub3A_30, %div3A_8 : vector<8x128xi1>, vector<8x128xi32>
    %iota3A_31 = tpu.iota {dimensions = array<i32: 0>} : vector<8x128xi32>
    %eq3A_32 = arith.cmpi eq, %select_n3A, %iota3A_31 : vector<8x128xi32>
    %convert_element_type3A_33 = arith.extui %eq3A_32 : vector<8x128xi1> to vector<8x128xi32>
    %convert_element_type3A_34 = arith.sitofp %convert_element_type3A_33 : vector<8x128xi32> to vector<8x128xf32>
    %broadcast_in_dim3A = vector.shape_cast %convert_element_type3A_34 : vector<8x128xf32> to vector<1x8x128xf32>
    %mul3A = vector.broadcast %broadcast_in_dim3A : vector<1x8x128xf32> to vector<2048x8x128xf32>
    %mul3A_35 = arith.mulf %reshape3A, %mul3A : vector<2048x8x128xf32>
    %reduce_sum3A = arith.constant dense<0.000000e+00> : vector<2048x128xf32>
    %reduce_sum3A_36 = vector.multi_reduction <add>, %mul3A_35, %reduce_sum3A [1] : vector<2048x8x128xf32> to vector<2048x128xf32>
    %swap3A = arith.constant 0 : index
    %swap3A_37 = arith.constant 0 : index
    %swap3A_38 = vector.load %arg2[%swap3A, %swap3A_37] : memref<2048x128xf32, #tpu.memory_space<vmem>>, vector<2048x128xf32>
    tpu.vector_store %arg2[%swap3A, %swap3A_37], %reduce_sum3A_36 {strides = array<i32>} : memref<2048x128xf32, #tpu.memory_space<vmem>>, vector<2048x128xf32>,
    return
  }
  func.func @transform_0(%arg0: i32) -> (i32, i32) {
    %c0_i32 = arith.constant 0 : i32
    %c0_i32_0 = arith.constant 0 : i32
    return %c0_i32, %arg0 : i32, i32
  }
  func.func @transform_1(%arg0: i32) -> (i32, i32) {
    %c0_i32 = arith.constant 0 : i32
    %c0_i32_0 = arith.constant 0 : i32
    return %arg0, %c0_i32 : i32, i32
  }
}

module attributes {stable_mosaic.version = 14 : i64} {
  func.func @_tc_body(%arg0: i32, %arg1: memref<512x416xf32, #tpu.memory_space<vmem>>, %arg2: memref<512x26xf32, #tpu.memory_space<vmem>>, %arg3: memref<416x32xf32, #tpu.memory_space<vmem>>, %arg4: memref<1x16xf32, #tpu.memory_space<vmem>>, %arg5: memref<1x16xf32, #tpu.memory_space<vmem>>, %arg6: memref<1x16xf32, #tpu.memory_space<vmem>>, %arg7: memref<16x16xf32, #tpu.memory_space<vmem>>, %arg8: memref<1x16xf32, #tpu.memory_space<vmem>>, %arg9: memref<1x16xf32, #tpu.memory_space<vmem>>, %arg10: memref<1x16xf32, #tpu.memory_space<vmem>>, %arg11: memref<16x1xf32, #tpu.memory_space<vmem>>, %arg12: memref<1x1xf32, #tpu.memory_space<vmem>>, %arg13: memref<1x1xf32, #tpu.memory_space<vmem>>, %arg14: memref<512xf32, #tpu.memory_space<vmem>>) attributes {dimension_semantics = [#tpu.dimension_semantics<arbitrary>], iteration_bounds = array<i64: 32>, scalar_prefetch = 0 : i64, scratch_operands = 0 : i64, tpu.core_type = #tpu.core_type<tc>, window_params = [{transform_indices = @transform_0, window_bounds = array<i64: 512, 416>}, {transform_indices = @transform_1, window_bounds = array<i64: 512, 26>}, {pipeline_mode = #tpu.pipeline_mode<synchronous>, transform_indices = @transform_2, window_bounds = array<i64: 416, 32>}, {pipeline_mode = #tpu.pipeline_mode<synchronous>, transform_indices = @transform_3, window_bounds = array<i64: 1, 16>}, {pipeline_mode = #tpu.pipeline_mode<synchronous>, transform_indices = @transform_4, window_bounds = array<i64: 1, 16>}, {pipeline_mode = #tpu.pipeline_mode<synchronous>, transform_indices = @transform_5, window_bounds = array<i64: 1, 16>}, {pipeline_mode = #tpu.pipeline_mode<synchronous>, transform_indices = @transform_6, window_bounds = array<i64: 16, 16>}, {pipeline_mode = #tpu.pipeline_mode<synchronous>, transform_indices = @transform_7, window_bounds = array<i64: 1, 16>}, {pipeline_mode = #tpu.pipeline_mode<synchronous>, transform_indices = @transform_8, window_bounds = array<i64: 1, 16>}, {pipeline_mode = #tpu.pipeline_mode<synchronous>, transform_indices = @transform_9, window_bounds = array<i64: 1, 16>}, {pipeline_mode = #tpu.pipeline_mode<synchronous>, transform_indices = @transform_10, window_bounds = array<i64: 16, 1>}, {pipeline_mode = #tpu.pipeline_mode<synchronous>, transform_indices = @transform_11, window_bounds = array<i64: 1, 1>}, {pipeline_mode = #tpu.pipeline_mode<synchronous>, transform_indices = @transform_12, window_bounds = array<i64: 1, 1>}, {transform_indices = @transform_13, window_bounds = array<i64: 512>}]} {
    %get3A = arith.constant 0 : index
    %get3A_0 = arith.constant 0 : index
    %get3A_1 = vector.load %arg1[%get3A, %get3A_0] : memref<512x416xf32, #tpu.memory_space<vmem>>, vector<512x416xf32>
    %get3A_2 = arith.constant 0 : index
    %get3A_3 = arith.constant 0 : index
    %get3A_4 = vector.load %arg3[%get3A_2, %get3A_3] : memref<416x32xf32, #tpu.memory_space<vmem>>, vector<416x32xf32>
    %dot_general3A = arith.constant dense<0.000000e+00> : vector<512x32xf32>
    %dot_general3A_5 = tpu.matmul %get3A_1, %get3A_4, %dot_general3A {dimension_numbers = #tpu.dot_dimension_numbers<[1], [0], [0], [1], [0, 0, 1, 1], [], []>, transpose_lhs_hint = false} : vector<512x416xf32>, vector<416x32xf32>, vector<512x32xf32> -> vector<512x32xf32>
    %slice3A = vector.extract_strided_slice %dot_general3A_5 {offsets = [0, 0], sizes = [512, 16], strides = [1, 1]} : vector<512x32xf32> to vector<512x16xf32>
    %slice3A_6 = vector.extract_strided_slice %dot_general3A_5 {offsets = [0, 16], sizes = [512, 16], strides = [1, 1]} : vector<512x32xf32> to vector<512x16xf32>
    %mul3A = arith.mulf %slice3A_6, %slice3A_6 : vector<512x16xf32>
    %reduce_sum3A = arith.constant dense<0.000000e+00> : vector<512xf32>
    %reduce_sum3A_7 = vector.multi_reduction <add>, %mul3A, %reduce_sum3A [1] : vector<512x16xf32> to vector<512xf32>
    %mul3A_8 = arith.mulf %get3A_1, %get3A_1 : vector<512x416xf32>
    %reduce_sum3A_9 = arith.constant dense<0.000000e+00> : vector<512xf32>
    %reduce_sum3A_10 = vector.multi_reduction <add>, %mul3A_8, %reduce_sum3A_9 [1] : vector<512x416xf32> to vector<512xf32>
    %sub3A = arith.subf %reduce_sum3A_7, %reduce_sum3A_10 : vector<512xf32>
    %mul3A_11 = arith.constant 5.000000e-01 : f32
    %mul3A_12 = vector.broadcast %mul3A_11 : f32 to vector<512xf32>
    %mul3A_13 = arith.mulf %mul3A_12, %sub3A : vector<512xf32>
    %get3A_14 = arith.constant 0 : index
    %get3A_15 = arith.constant 0 : index
    %get3A_16 = vector.load %arg2[%get3A_14, %get3A_15] : memref<512x26xf32, #tpu.memory_space<vmem>>, vector<512x26xf32>
    %reduce_sum3A_17 = arith.constant dense<0.000000e+00> : vector<512xf32>
    %reduce_sum3A_18 = vector.multi_reduction <add>, %get3A_16, %reduce_sum3A_17 [1] : vector<512x26xf32> to vector<512xf32>
    %get3A_19 = arith.constant 0 : index
    %get3A_20 = arith.constant 0 : index
    %get3A_21 = vector.load %arg13[%get3A_19, %get3A_20] : memref<1x1xf32, #tpu.memory_space<vmem>>, vector<1x1xf32>
    %get3A_22 = vector.extract %get3A_21[0, 0] : f32 from vector<1x1xf32>
    %add3A = vector.broadcast %get3A_22 : f32 to vector<512xf32>
    %add3A_23 = arith.addf %reduce_sum3A_18, %add3A : vector<512xf32>
    %get3A_24 = arith.constant 0 : index
    %get3A_25 = arith.constant 0 : index
    %get3A_26 = vector.load %arg4[%get3A_24, %get3A_25] : memref<1x16xf32, #tpu.memory_space<vmem>>, vector<1x16xf32>
    %add3A_27 = vector.broadcast %get3A_26 : vector<1x16xf32> to vector<512x16xf32>
    %add3A_28 = arith.addf %slice3A, %add3A_27 : vector<512x16xf32>
    %get3A_29 = arith.constant 0 : index
    %get3A_30 = arith.constant 0 : index
    %get3A_31 = vector.load %arg5[%get3A_29, %get3A_30] : memref<1x16xf32, #tpu.memory_space<vmem>>, vector<1x16xf32>
    %mul3A_32 = arith.constant 0.999994993 : f32
    %mul3A_33 = vector.broadcast %mul3A_32 : f32 to vector<1x16xf32>
    %mul3A_34 = arith.mulf %get3A_31, %mul3A_33 : vector<1x16xf32>
    %mul3A_35 = vector.broadcast %mul3A_34 : vector<1x16xf32> to vector<512x16xf32>
    %mul3A_36 = arith.mulf %add3A_28, %mul3A_35 : vector<512x16xf32>
    %get3A_37 = arith.constant 0 : index
    %get3A_38 = arith.constant 0 : index
    %get3A_39 = vector.load %arg6[%get3A_37, %get3A_38] : memref<1x16xf32, #tpu.memory_space<vmem>>, vector<1x16xf32>
    %add3A_40 = vector.broadcast %get3A_39 : vector<1x16xf32> to vector<512x16xf32>
    %add3A_41 = arith.addf %mul3A_36, %add3A_40 : vector<512x16xf32>
    %max3A = arith.constant 0.000000e+00 : f32
    %max3A_42 = vector.broadcast %max3A : f32 to vector<512x16xf32>
    %max3A_43 = arith.maximumf %add3A_41, %max3A_42 : vector<512x16xf32>
    %get3A_44 = arith.constant 0 : index
    %get3A_45 = arith.constant 0 : index
    %get3A_46 = vector.load %arg7[%get3A_44, %get3A_45] : memref<16x16xf32, #tpu.memory_space<vmem>>, vector<16x16xf32>
    %dot_general3A_47 = arith.constant dense<0.000000e+00> : vector<512x16xf32>
    %dot_general3A_48 = tpu.matmul %max3A_43, %get3A_46, %dot_general3A_47 {dimension_numbers = #tpu.dot_dimension_numbers<[1], [0], [0], [1], [0, 0, 1, 1], [], []>, transpose_lhs_hint = false} : vector<512x16xf32>, vector<16x16xf32>, vector<512x16xf32> -> vector<512x16xf32>
    %get3A_49 = arith.constant 0 : index
    %get3A_50 = arith.constant 0 : index
    %get3A_51 = vector.load %arg8[%get3A_49, %get3A_50] : memref<1x16xf32, #tpu.memory_space<vmem>>, vector<1x16xf32>
    %add3A_52 = vector.broadcast %get3A_51 : vector<1x16xf32> to vector<512x16xf32>
    %add3A_53 = arith.addf %dot_general3A_48, %add3A_52 : vector<512x16xf32>
    %get3A_54 = arith.constant 0 : index
    %get3A_55 = arith.constant 0 : index
    %get3A_56 = vector.load %arg9[%get3A_54, %get3A_55] : memref<1x16xf32, #tpu.memory_space<vmem>>, vector<1x16xf32>
    %mul3A_57 = arith.constant 0.999994993 : f32
    %mul3A_58 = vector.broadcast %mul3A_57 : f32 to vector<1x16xf32>
    %mul3A_59 = arith.mulf %get3A_56, %mul3A_58 : vector<1x16xf32>
    %mul3A_60 = vector.broadcast %mul3A_59 : vector<1x16xf32> to vector<512x16xf32>
    %mul3A_61 = arith.mulf %add3A_53, %mul3A_60 : vector<512x16xf32>
    %get3A_62 = arith.constant 0 : index
    %get3A_63 = arith.constant 0 : index
    %get3A_64 = vector.load %arg10[%get3A_62, %get3A_63] : memref<1x16xf32, #tpu.memory_space<vmem>>, vector<1x16xf32>
    %add3A_65 = vector.broadcast %get3A_64 : vector<1x16xf32> to vector<512x16xf32>
    %add3A_66 = arith.addf %mul3A_61, %add3A_65 : vector<512x16xf32>
    %max3A_67 = arith.constant 0.000000e+00 : f32
    %max3A_68 = vector.broadcast %max3A_67 : f32 to vector<512x16xf32>
    %max3A_69 = arith.maximumf %add3A_66, %max3A_68 : vector<512x16xf32>
    %get3A_70 = arith.constant 0 : index
    %get3A_71 = arith.constant 0 : index
    %get3A_72 = vector.load %arg11[%get3A_70, %get3A_71] : memref<16x1xf32, #tpu.memory_space<vmem>>, vector<16x1xf32>
    %dot_general3A_73 = arith.constant dense<0.000000e+00> : vector<512x1xf32>
    %dot_general3A_74 = tpu.matmul %max3A_69, %get3A_72, %dot_general3A_73 {dimension_numbers = #tpu.dot_dimension_numbers<[1], [0], [0], [1], [0, 0, 1, 1], [], []>, transpose_lhs_hint = false} : vector<512x16xf32>, vector<16x1xf32>, vector<512x1xf32> -> vector<512x1xf32>
    %squeeze3A = vector.shape_cast %dot_general3A_74 : vector<512x1xf32> to vector<512xf32>
    %get3A_75 = arith.constant 0 : index
    %get3A_76 = arith.constant 0 : index
    %get3A_77 = vector.load %arg12[%get3A_75, %get3A_76] : memref<1x1xf32, #tpu.memory_space<vmem>>, vector<1x1xf32>
    %get3A_78 = vector.extract %get3A_77[0, 0] : f32 from vector<1x1xf32>
    %add3A_79 = vector.broadcast %get3A_78 : f32 to vector<512xf32>
    %add3A_80 = arith.addf %squeeze3A, %add3A_79 : vector<512xf32>
    %add3A_81 = arith.addf %add3A_23, %mul3A_13 : vector<512xf32>
    %add3A_82 = arith.addf %add3A_81, %add3A_80 : vector<512xf32>
    %swap3A = arith.constant 0 : index
    %swap3A_83 = vector.load %arg14[%swap3A] : memref<512xf32, #tpu.memory_space<vmem>>, vector<512xf32>
    tpu.vector_store %arg14[%swap3A], %add3A_82 {strides = array<i32>} : memref<512xf32, #tpu.memory_space<vmem>>, vector<512xf32>,
    return
  }
  func.func @transform_0(%arg0: i32) -> (i32, i32) {
    %c0_i32 = arith.constant 0 : i32
    %c0_i32_0 = arith.constant 0 : i32
    return %arg0, %c0_i32 : i32, i32
  }
  func.func @transform_1(%arg0: i32) -> (i32, i32) {
    %c0_i32 = arith.constant 0 : i32
    %c0_i32_0 = arith.constant 0 : i32
    return %arg0, %c0_i32 : i32, i32
  }
  func.func @transform_2(%arg0: i32) -> (i32, i32) {
    %c0_i32 = arith.constant 0 : i32
    %c0_i32_0 = arith.constant 0 : i32
    %c0_i32_1 = arith.constant 0 : i32
    return %c0_i32, %c0_i32_0 : i32, i32
  }
  func.func @transform_3(%arg0: i32) -> (i32, i32) {
    %c0_i32 = arith.constant 0 : i32
    %c0_i32_0 = arith.constant 0 : i32
    %c0_i32_1 = arith.constant 0 : i32
    return %c0_i32, %c0_i32_0 : i32, i32
  }
  func.func @transform_4(%arg0: i32) -> (i32, i32) {
    %c0_i32 = arith.constant 0 : i32
    %c0_i32_0 = arith.constant 0 : i32
    %c0_i32_1 = arith.constant 0 : i32
    return %c0_i32, %c0_i32_0 : i32, i32
  }
  func.func @transform_5(%arg0: i32) -> (i32, i32) {
    %c0_i32 = arith.constant 0 : i32
    %c0_i32_0 = arith.constant 0 : i32
    %c0_i32_1 = arith.constant 0 : i32
    return %c0_i32, %c0_i32_0 : i32, i32
  }
  func.func @transform_6(%arg0: i32) -> (i32, i32) {
    %c0_i32 = arith.constant 0 : i32
    %c0_i32_0 = arith.constant 0 : i32
    %c0_i32_1 = arith.constant 0 : i32
    return %c0_i32, %c0_i32_0 : i32, i32
  }
  func.func @transform_7(%arg0: i32) -> (i32, i32) {
    %c0_i32 = arith.constant 0 : i32
    %c0_i32_0 = arith.constant 0 : i32
    %c0_i32_1 = arith.constant 0 : i32
    return %c0_i32, %c0_i32_0 : i32, i32
  }
  func.func @transform_8(%arg0: i32) -> (i32, i32) {
    %c0_i32 = arith.constant 0 : i32
    %c0_i32_0 = arith.constant 0 : i32
    %c0_i32_1 = arith.constant 0 : i32
    return %c0_i32, %c0_i32_0 : i32, i32
  }
  func.func @transform_9(%arg0: i32) -> (i32, i32) {
    %c0_i32 = arith.constant 0 : i32
    %c0_i32_0 = arith.constant 0 : i32
    %c0_i32_1 = arith.constant 0 : i32
    return %c0_i32, %c0_i32_0 : i32, i32
  }
  func.func @transform_10(%arg0: i32) -> (i32, i32) {
    %c0_i32 = arith.constant 0 : i32
    %c0_i32_0 = arith.constant 0 : i32
    %c0_i32_1 = arith.constant 0 : i32
    return %c0_i32, %c0_i32_0 : i32, i32
  }
  func.func @transform_11(%arg0: i32) -> (i32, i32) {
    %c0_i32 = arith.constant 0 : i32
    %c0_i32_0 = arith.constant 0 : i32
    %c0_i32_1 = arith.constant 0 : i32
    return %c0_i32, %c0_i32_0 : i32, i32
  }
  func.func @transform_12(%arg0: i32) -> (i32, i32) {
    %c0_i32 = arith.constant 0 : i32
    %c0_i32_0 = arith.constant 0 : i32
    %c0_i32_1 = arith.constant 0 : i32
    return %c0_i32, %c0_i32_0 : i32, i32
  }
  func.func @transform_13(%arg0: i32) -> i32 {
    %c0_i32 = arith.constant 0 : i32
    return %arg0 : i32
  }
}

</mosaic_0001>

<sc_bundles>
// kernel: kernel.5.cloned.1.call-start
scs
__scs_entry_jumppad:
0x0: {  	(pc) =	sbr.rel $0x88, $3  }
0x1: {  	(tag) =	ssettag $0x0;
	lr =	simm.s32 $0x1  }
0x2: {  	[smem:$0x3F93] =	sst lr;
	_ =	strace $0xD0000000  }
0x3: {  	_ = 	snop  }
0x4: {  	_ = 	snop  }
0x5: {  	_ = 	snop  }
0x6: {  	_ = 	snop  }
0x7: {  	_ = 	snop  }
__scs_overlays_trampoline_lowered:
0x8: {  	[smem:$0x3FA2] =	sst s0  }
0x9: {  	[smem:$0x3FA3] =	sst s1  }
0xa: {  	[smem:$0x3FA4] =	sst s2  }
0xb: {  	[smem:$0x3FA5] =	sst s3  }
0xc: {  	[smem:$0x3FA6] =	sst s4  }
0xd: {  	[smem:$0x3FA7] =	sst s5  }
0xe: {  	[smem:$0x3FA8] =	sst s6  }
0xf: {  	[smem:$0x3FA9] =	sst s7  }
0x10: {  	[smem:$0x3FAA] =	sst s8  }
0x11: {  	[smem:$0x3FAB] =	sst s9;
	s0 =	simm.s32 @!p0 $0x0  }
0x12: {  	s1 =	sld [smem:$0x3F91];
	s0 =	simm.s32 @p0 $0x1  }
0x13: {  	[smem:$0x3FAC] =	sst s0;
	s0 =	simm.s32 @!p1 $0x0  }
0x14: {  	s2 =	sld [smem:$0x3F90];
	s0 =	simm.s32 @p1 $0x1  }
0x15: {  	[smem:$0x3FAD] =	sst s0;
	s0 =	simm.s32 @!p2 $0x0  }
0x16: {  	s3 =	sld [smem:$0x3FDB];
	s0 =	simm.s32 @p2 $0x1  }
0x17: {  	s4 =	simm.s32 $0x1BF5;
	[smem:$0x3FAF] =	sst s0  }
0x18: {  	s0 =	sld [smem:$0x3F92];
	_ =	swait.ge [sflag:s4], $0x0  }
0x19: {  	s7 =	sld [smem:$0x3F93]  }
0x1a: {  	s8 =	sadd.s32 $0xFFFFE003, lr  }
0x1b: {  	s9 =	sadd.s32 $0xFFFFFEF7, lr;
	s5 =	simm.s32 $0xFFFFFFFF;
	p2 =	slt.u32 s8, $0xFFFFF086  }
0x1c: {  	p1 =	slt.u32 s9, $0xF7A;
	s5 =	simm.s32 @!p2 $0x0  }
0x1d: {  	s5 =	simm.s32 @p1 $0x1;
	p0 =	seq.s32 s7, s2  }
0x1e: {  	s7 =	smul.u32 @!p0 $0xF7A, s2;
	p2 =	seq.s32 @!p0 s5, $0x0  }
0x1f: {  	s9 =	smul.u32 $0xF7A, s1;
	s8 =	simm.s32 @!p0 $0x1BF5;
	p2 =	por !p2, p0  }
0x20: {  	[sflag:s8] =	ssyncset.s32 @!p0 $0xFFFFF086;
	s6 =	sadd.s32 @!p0 s3, s7;
	s7 =	simm.s32 @!p0 $0x108  }
0x21: {  	s3 =	sadd.s32 s3, s9;
	s6 =	sadd.s32 @!p0 $0x88, s6;
	s7 =	simm.s32 @p2 $0x1082  }
0x22: {  	[simem:s7], [sflag:s8] =	dma.local @!p0 [hbm:s6], $0xF7A  }
0x23: {  	s9 =	sor.u32 $0xD0000000, s2;
	s6 =	simm.s32 $0x108;
	_ =	swait.ge @!p0 [sflag:s8], $0x0  }
0x24: {  	s3 =	sadd.s32 $0x88, s3;
	s6 =	simm.s32 @!p1 $0x1082;
	[sflag:s4] =	ssyncset.s32 $0xFFFFF086  }
0x25: {  	[simem:s6], [sflag:s4] =	dma.local [hbm:s3], $0xF7A  }
0x26: {  	[smem:$0x3F93] =	sst s1;
	(tag) =	ssettag s2;
	_ =	strace s9  }
0x27: {  	s1 =	sld [smem:$0x3FA3]  }
0x28: {  	s2 =	sld [smem:$0x3FA4]  }
0x29: {  	s4 =	sld [smem:$0x3FA6]  }
0x2a: {  	p0 =	seq.s32 s5, $0x0;
	s5 =	sld [smem:$0x3FA7]  }
0x2b: {  	s6 =	sld [smem:$0x3FA8]  }
0x2c: {  	s7 =	sld [smem:$0x3FA9]  }
0x2d: {  	s3 =	simm.s32 $0x108;
	s8 =	sld [smem:$0x3FAA]  }
0x2e: {  	s3 =	simm.s32 @!p0 $0x1082;
	s9 =	sld [smem:$0x3FAB]  }
0x2f: {  	lr =	sadd.s32 s0, s3;
	s0 =	sld [smem:$0x3FA2]  }
0x30: {  	s3 =	sld [smem:$0x3FA5]  }
0x31: {  	[smem:$0x3FAE] =	sst s10  }
0x32: {  	s10 =	sld [smem:$0x3FAC];
	_ =	sdelay $0x3  }
0x33: {  	p0 =	seq.s32 s10, $0x1;
	s10 =	sld [smem:$0x3FAE];
	_ =	sdelay $0x3  }
0x34: {  	[smem:$0x3FAE] =	sst s10  }
0x35: {  	s10 =	sld [smem:$0x3FAD];
	_ =	sdelay $0x3  }
0x36: {  	p1 =	seq.s32 s10, $0x1;
	s10 =	sld [smem:$0x3FAE];
	_ =	sdelay $0x3  }
0x37: {  	[smem:$0x3FAE] =	sst s10  }
0x38: {  	s10 =	sld [smem:$0x3FAF]  }
0x39: {  	_ = 	snop;
	(pc) =	sbr.ind lr, $3  }
0x3a: {  	_ = 	snop  }
0x3b: {  	_ = 	snop  }
0x3c: {  	p2 =	seq.s32 s10, $0x1;
	s10 =	sld [smem:$0x3FAE]  }
0x3d: {  	_ =	shalt  }
0x3e: {  	_ =	shalt  }
0x3f: {  	_ =	shalt  }
0x40: {  	_ =	shalt  }
0x41: {  	_ =	shalt  }
0x42: {  	_ =	shalt  }
0x43: {  	_ =	shalt  }
0x44: {  	_ =	shalt  }
0x45: {  	_ =	shalt  }
0x46: {  	_ =	shalt  }
0x47: {  	_ =	shalt  }
0x48: {  	_ =	shalt  }
0x49: {  	_ =	shalt  }
0x4a: {  	_ =	shalt  }
0x4b: {  	_ =	shalt  }
0x4c: {  	_ =	shalt  }
0x4d: {  	_ =	shalt  }
0x4e: {  	_ =	shalt  }
0x4f: {  	_ =	shalt  }
0x50: {  	_ =	shalt  }
0x51: {  	_ =	shalt  }
0x52: {  	_ =	shalt  }
0x53: {  	_ =	shalt  }
0x54: {  	_ =	shalt  }
0x55: {  	_ =	shalt  }
0x56: {  	_ =	shalt  }
0x57: {  	_ =	shalt  }
0x58: {  	_ =	shalt  }
0x59: {  	_ =	shalt  }
0x5a: {  	_ =	shalt  }
0x5b: {  	_ =	shalt  }
0x5c: {  	_ =	shalt  }
0x5d: {  	_ =	shalt  }
0x5e: {  	_ =	shalt  }
0x5f: {  	_ =	shalt  }
0x60: {  	_ =	shalt  }
0x61: {  	_ =	shalt  }
0x62: {  	_ =	shalt  }
0x63: {  	_ =	shalt  }
0x64: {  	_ =	shalt  }
0x65: {  	_ =	shalt  }
0x66: {  	_ =	shalt  }
0x67: {  	_ =	shalt  }
0x68: {  	_ =	shalt  }
0x69: {  	_ =	shalt  }
0x6a: {  	_ =	shalt  }
0x6b: {  	_ =	shalt  }
0x6c: {  	_ =	shalt  }
0x6d: {  	_ =	shalt  }
0x6e: {  	_ =	shalt  }
0x6f: {  	_ =	shalt  }
0x70: {  	_ =	shalt  }
0x71: {  	_ =	shalt  }
0x72: {  	_ =	shalt  }
0x73: {  	_ =	shalt  }
0x74: {  	_ =	shalt  }
0x75: {  	_ =	shalt  }
0x76: {  	_ =	shalt  }
0x77: {  	_ =	shalt  }
0x78: {  	_ =	shalt  }
0x79: {  	_ =	shalt  }
0x7a: {  	_ =	shalt  }
0x7b: {  	_ =	shalt  }
0x7c: {  	_ =	shalt  }
0x7d: {  	_ =	shalt  }
0x7e: {  	_ =	shalt  }
0x7f: {  	_ =	shalt  }
0x80: {  	_ =	shalt  }
0x81: {  	_ =	shalt  }
0x82: {  	_ =	shalt  }
0x83: {  	_ =	shalt  }
0x84: {  	_ =	shalt  }
0x85: {  	_ =	shalt  }
0x86: {  	_ =	shalt  }
0x87: {  	_ =	shalt  }
.Lfunc_end0:
.L_simem_size_0:
called_computation_lowered:
.L_overlay_start_0:
0x88: {  	s2 =	sld [smem:$0x3FD9]  }
0x89: {  	s3 =	sld [smem:$0x3FFE];
	_ =	sdelay $0x1  }
0x8a: {  	s1 =	srdreg.scid  }
0x8b: {  	s0 =	sand.u32 $0x1, s1  }
0x8c: {  	s16 =	sshll.u32 s0, $0xA;
	s2 =	sadd.s32 s3, s2  }
0x8d: {  	s2 =	sadd.s32 s2, s16  }
0x8e: {  	[smem:$0x3FBA] =	sst s2  }
0x8f: {  	_ = 	snop  }
0x90: {  	(tm) =	ssettm $0x1  }
0x91: {  	s17 =	sld [smem:$0x3FFB];
	_ =	sdelay $0x3  }
0x92: {  	_ =	strace s17  }
0x93: {  	s2 =	sld [smem:$0x3FFC];
	_ =	sdelay $0x3  }
0x94: {  	_ =	strace s2  }
0x95: {  	s2 =	sld [smem:$0x3FFD];
	_ =	sdelay $0x3  }
0x96: {  	_ =	strace s2  }
0x97: {  	_ =	strace $0x8FFFFFFF  }
0x98: {  	s18 =	sld [smem:$0x3FDB];
	_ =	sdelay $0x1  }
0x99: {  	s19 =	simm.s32 $_scs_section_size  }
0x9a: {  	s4 =	simm.s32 $_size__tile_overlayer_lowered;
	s5 =	simm.s32 $_tile_overlayer_lowered  }
0x9b: {  	s22 =	simm.s32 $0x1BFF;
	s21 =	sshll.u32 s5, $0x1;
	s2 =	sadd.s32 s19, s18  }
0x9c: {  	s6 =	simm.s32 $0x0;
	s20 =	sshll.u32 s4, $0x1;
	s4 =	sadd.s32 s21, s2  }
0x9d: {  	[timem:s6], [sflag:s22] =	dma.local [hbm:s4], s20  }
0x9e: {  	_ =	swait.ge [sflag:s22], s20  }
0x9f: {  	s3 =	ssub.s32 $0x0, s20;
	[sflag:s22] =	ssyncset.done $0x0  }
0xa0: {  	[sflag:s22] =	ssyncadd.s32 s3;
	_ =	sdelay $0x1  }
0xa1: {  	s23 =	simm.s32 $0x1B8B  }
0xa2: {  	_ =	swait.ge [sflag:s23], $0x1  }
0xa3: {  	[sflag:s23] =	ssyncset.done $0x0  }
0xa4: {  	s25 =	simm.s32 $0x1B8E;
	s24 =	sld [smem:$0x3FFE];
	[sflag:s23] =	ssyncadd.s32 $0xFFFFFFFF  }
0xa5: {  	s26 =	simm.s32 $execute0_lowered;
	[smem:$0x3FD2] =	sst s25  }
0xa6: {  	s4 =	sshll.u32 s26, $0x1;
	_ =	strace $0x80000046;
	[dreg:$0x1] =	wrdreg $0xFFFFFFFF  }
0xa7: {  	s28 =	simm.s32 $_size_execute0_lowered;
	s2 =	sadd.s32 s2, s4;
	[dreg:$0x0] =	wrdreg $0x0  }
0xa8: {  	s4 =	sshll.u32 s28, $0x1;
	[dreg:$0x2] =	wrdreg s2  }
0xa9: {  	[dreg:$0x3] =	wrdreg s4  }
0xaa: {  	[dreg:$0x4] =	wrdreg $0xC0  }
0xab: {  	_ =	task [dreg:s6], $0x5FFFF  }
0xac: {  	[dreg:$0x1] =	wrdreg $0xFFFFFFFF  }
0xad: {  	[dreg:$0x0] =	wrdreg $0x60  }
0xae: {  	[dreg:$0x2] =	wrdreg s24  }
0xaf: {  	[dreg:$0x3] =	wrdreg $0x9  }
0xb0: {  	_ =	task.clear_ibuf [dreg:s6], $0x4FFFF;
	_ =	strace $0x90000046  }
0xb1: {  	s29 =	simm.s32 $0x9;
	_ =	strace $0x80000048  }
0xb2: {  	_ =	swait.ge [sflag:s29], $0x1  }
0xb3: {  	[sflag:s29] =	ssyncadd.s32 $0xFFFFFFFF  }
0xb4: {  	_ =	strace $0x90000048  }
0xb5: {  	_ =	sfence  }
0xb6: {  	s30 =	sld [smem:$0x0];
	_ =	sdelay $0x2  }
0xb7: {  	s31 =	sshll.u32 s1, $0xD;
	s1 =	sshrl.u32 s1, $0x2  }
0xb8: {  	s3 =	sand.u32 $0x4000, s31;
	s1 =	sadd.s32 s1, s30  }
0xb9: {  	s0 =	sor.u32 s3, s0;
	s1 =	sshll.u32 s1, $0x11  }
0xba: {  	s0 =	sor.u32 s1, s0  }
0xbb: {  	s0 =	sadd.s32 $0x8F2B, s0  }
0xbc: {  	[sflag:s0] =	ssyncadd.remote.s32 $0x1  }
0xbd: {  	_ =	sfence.sel $0xFFFF  }
0xbe: {  	[dreg:$0x0] =	wrdreg $0xFFFFFFFF;
	(pc) =	sbr.abs _section_cstart, $3  }
0xbf: {  	[dreg:$0x1] =	wrdreg $0xFFFFFFFF  }
0xc0: {  	_ =	task.clear_ibuf [dreg:s6], $0x2FFFF;
	_ =	strace $0x9FFFFFFF  }
0xc1: {  	(tm) =	ssettm $0x7FFFFFFF  }
tec
execute0_lowered:
.L_overlay_start_1:
0x0: {  	(tag) =	ssettag $0x1  }
0x1: {  	s1 =	srdreg.scid;
	s0 =	stileid.u32  }
0x2: {  	s20 =	sand.u32 $0x1, s1;
	s28 =	sshll.u32 s0, $0x1  }
0x3: {  	s11 =	sor.u32 s20, s28  }
0x4: {  	s21 =	smul.u32 $0x3400, s11  }
0x5: {  	s12 =	rddreg [dreg:$0x0];
	s2 =	simm.s32 $0x0;
	s3 =	simm.s32 $0x3  }
0x6: {  	[smem:$0x7FF] =	sst s2;
	s19 =	sadd.s32 $0x4F8000, s12;
	s13 =	sshrl.u32 s21, $0x3  }
0x7: {  	s1 =	rddreg [dreg:$0x1];
	_ =	strace $0x80000047;
	s4 =	sadd.s32 s19, s13  }
0x8: {  	[tilespmem:s2], [sflag:$0x3] =	stream.linear.gather [hbm4b:s4+s2], $0xD00, $0x38;
	[tilespmem:$0xEA00] =	vst v63  }
0x9: {  	_ =	swait.ge [sflag:s3], $0xD00  }
0xa: {  	[sflag:s3] =	ssyncset.done $0x0  }
0xb: {  	s6 =	simm.s32 $0xD00;
	s5 =	sadd.s32 $0x2600, s12;
	[sflag:s3] =	ssyncadd.s32 $0xFFFFF300  }
0xc: {  	[tilespmem:s6], [sflag:$0x1] =	stream.indirect.gather [hbm4b:s5+s6], $0x10, s2, s6, $0xb8;
	[tilespmem:$0xEA00] =	vst v63  }
0xd: {  	s8 =	simm.s32 $0xDD00;
	s9 =	simm.s32 $0x1;
	s7 =	sadd.s32 $0x505000, s12  }
0xe: {  	[tilespmem:s8], [sflag:$0x2] =	stream.indirect.gather [hbm4b:s7+s6], $0x1, s2, s6, $0xb8;
	[tilespmem:$0xEA00] =	vst v63  }
0xf: {  	_ =	swait.ge [sflag:s9], $0xD000  }
0x10: {  	[sflag:s9] =	ssyncset.done $0x0  }
0x11: {  	s10 =	simm.s32 $0x2;
	[sflag:s9] =	ssyncadd.s32 $0xFFFF3000  }
0x12: {  	s11 =	smul.u32 $0x6800, s11;
	_ =	swait.ge [sflag:s10], $0xD00  }
0x13: {  	s23 =	sadd.s32 $0x554600, s12;
	[sflag:s10] =	ssyncset.done $0x0  }
0x14: {  	s11 =	sadd.s32 s23, s11;
	[sflag:s10] =	ssyncadd.s32 $0xFFFFF300  }
0x15: {  	[hbm4b:s11+s2] =	stream.linear.scatter [tilespmem:s6], [sflag:$0x3], $0xD000, $0x38;
	[tilespmem:$0xEA00] =	vst v63  }
0x16: {  	_ =	swait.ge [sflag:s3], $0xD000  }
0x17: {  	s22 =	sadd.s32 $0x624600, s12;
	[sflag:s3] =	ssyncset.done $0x0  }
0x18: {  	s12 =	sadd.s32 s22, s13;
	[sflag:s3] =	ssyncadd.s32 $0xFFFF3000  }
0x19: {  	[hbm4b:s12+s2] =	stream.linear.scatter [tilespmem:s8], [sflag:$0x3], $0xD00, $0x38;
	[tilespmem:$0xEA00] =	vst v63  }
0x1a: {  	s14 =	sadd.s32 $0xD00, s21;
	_ =	swait.ge [sflag:s3], $0xD00  }
0x1b: {  	s15 =	sshrl.u32 s14, $0x3;
	[sflag:s3] =	ssyncset.done $0x0  }
0x1c: {  	s13 =	sadd.s32 s19, s15;
	[sflag:s3] =	ssyncadd.s32 $0xFFFFF300  }
0x1d: {  	[tilespmem:s2], [sflag:$0x3] =	stream.linear.gather [hbm4b:s13+s2], $0xD00, $0x38;
	[tilespmem:$0xEA00] =	vst v63  }
0x1e: {  	_ =	swait.ge [sflag:s3], $0xD00  }
0x1f: {  	[sflag:s3] =	ssyncset.done $0x0  }
0x20: {  	[sflag:s3] =	ssyncadd.s32 $0xFFFFF300  }
0x21: {  	[tilespmem:s6], [sflag:$0x1] =	stream.indirect.gather [hbm4b:s5+s6], $0x10, s2, s6, $0xb8;
	[tilespmem:$0xEA00] =	vst v63  }
0x22: {  	_ = 	snop  }
0x23: {  	[tilespmem:s8], [sflag:$0x2] =	stream.indirect.gather [hbm4b:s7+s6], $0x1, s2, s6, $0xb8;
	[tilespmem:$0xEA00] =	vst v63  }
0x24: {  	_ =	swait.ge [sflag:s9], $0xD000  }
0x25: {  	[sflag:s9] =	ssyncset.done $0x0  }
0x26: {  	[sflag:s9] =	ssyncadd.s32 $0xFFFF3000  }
0x27: {  	_ =	swait.ge [sflag:s10], $0xD00  }
0x28: {  	s14 =	sshll.u32 s14, $0x1;
	[sflag:s10] =	ssyncset.done $0x0  }
0x29: {  	s14 =	sadd.s32 s23, s14;
	[sflag:s10] =	ssyncadd.s32 $0xFFFFF300  }
0x2a: {  	[hbm4b:s14+s2] =	stream.linear.scatter [tilespmem:s6], [sflag:$0x3], $0xD000, $0x38;
	[tilespmem:$0xEA00] =	vst v63  }
0x2b: {  	_ =	swait.ge [sflag:s3], $0xD000  }
0x2c: {  	[sflag:s3] =	ssyncset.done $0x0  }
0x2d: {  	s15 =	sadd.s32 s22, s15;
	[sflag:s3] =	ssyncadd.s32 $0xFFFF3000  }
0x2e: {  	[hbm4b:s15+s2] =	stream.linear.scatter [tilespmem:s8], [sflag:$0x3], $0xD00, $0x38;
	[tilespmem:$0xEA00] =	vst v63  }
0x2f: {  	s17 =	sadd.s32 $0x1A00, s21;
	_ =	swait.ge [sflag:s3], $0xD00  }
0x30: {  	s18 =	sshrl.u32 s17, $0x3;
	[sflag:s3] =	ssyncset.done $0x0  }
0x31: {  	s16 =	sadd.s32 s19, s18;
	[sflag:s3] =	ssyncadd.s32 $0xFFFFF300  }
0x32: {  	[tilespmem:s2], [sflag:$0x3] =	stream.linear.gather [hbm4b:s16+s2], $0xD00, $0x38;
	[tilespmem:$0xEA00] =	vst v63  }
0x33: {  	_ =	swait.ge [sflag:s3], $0xD00  }
0x34: {  	[sflag:s3] =	ssyncset.done $0x0  }
0x35: {  	[sflag:s3] =	ssyncadd.s32 $0xFFFFF300  }
0x36: {  	[tilespmem:s6], [sflag:$0x1] =	stream.indirect.gather [hbm4b:s5+s6], $0x10, s2, s6, $0xb8;
	[tilespmem:$0xEA00] =	vst v63  }
0x37: {  	_ = 	snop  }
0x38: {  	[tilespmem:s8], [sflag:$0x2] =	stream.indirect.gather [hbm4b:s7+s6], $0x1, s2, s6, $0xb8;
	[tilespmem:$0xEA00] =	vst v63  }
0x39: {  	_ =	swait.ge [sflag:s9], $0xD000  }
0x3a: {  	[sflag:s9] =	ssyncset.done $0x0  }
0x3b: {  	[sflag:s9] =	ssyncadd.s32 $0xFFFF3000  }
0x3c: {  	_ =	swait.ge [sflag:s10], $0xD00  }
0x3d: {  	s17 =	sshll.u32 s17, $0x1;
	[sflag:s10] =	ssyncset.done $0x0  }
0x3e: {  	s17 =	sadd.s32 s23, s17;
	[sflag:s10] =	ssyncadd.s32 $0xFFFFF300  }
0x3f: {  	[hbm4b:s17+s2] =	stream.linear.scatter [tilespmem:s6], [sflag:$0x3], $0xD000, $0x38;
	[tilespmem:$0xEA00] =	vst v63  }
0x40: {  	_ =	swait.ge [sflag:s3], $0xD000  }
0x41: {  	[sflag:s3] =	ssyncset.done $0x0  }
0x42: {  	s18 =	sadd.s32 s22, s18;
	[sflag:s3] =	ssyncadd.s32 $0xFFFF3000  }
0x43: {  	[hbm4b:s18+s2] =	stream.linear.scatter [tilespmem:s8], [sflag:$0x3], $0xD00, $0x38;
	[tilespmem:$0xEA00] =	vst v63  }
0x44: {  	s21 =	sadd.s32 $0x2700, s21;
	_ =	swait.ge [sflag:s3], $0xD00  }
0x45: {  	s24 =	sshrl.u32 s21, $0x3;
	[sflag:s3] =	ssyncset.done $0x0  }
0x46: {  	s19 =	sadd.s32 s19, s24;
	[sflag:s3] =	ssyncadd.s32 $0xFFFFF300  }
0x47: {  	[tilespmem:s2], [sflag:$0x3] =	stream.linear.gather [hbm4b:s19+s2], $0xD00, $0x38;
	[tilespmem:$0xEA00] =	vst v63  }
0x48: {  	_ =	swait.ge [sflag:s3], $0xD00  }
0x49: {  	[sflag:s3] =	ssyncset.done $0x0  }
0x4a: {  	[sflag:s3] =	ssyncadd.s32 $0xFFFFF300  }
0x4b: {  	[tilespmem:s6], [sflag:$0x1] =	stream.indirect.gather [hbm4b:s5+s6], $0x10, s2, s6, $0xb8;
	[tilespmem:$0xEA00] =	vst v63  }
0x4c: {  	_ = 	snop  }
0x4d: {  	[tilespmem:s8], [sflag:$0x2] =	stream.indirect.gather [hbm4b:s7+s6], $0x1, s2, s6, $0xb8;
	[tilespmem:$0xEA00] =	vst v63  }
0x4e: {  	_ =	swait.ge [sflag:s9], $0xD000  }
0x4f: {  	[sflag:s9] =	ssyncset.done $0x0  }
0x50: {  	s25 =	ssub.s32 $0x2, s20;
	[sflag:s9] =	ssyncadd.s32 $0xFFFF3000  }
0x51: {  	s29 =	sshrl.u32 s25, $0x1;
	_ =	swait.ge [sflag:s10], $0xD00  }
0x52: {  	s30 =	ssub.s32 s25, s29;
	s21 =	sshll.u32 s21, $0x1;
	[sflag:s10] =	ssyncset.done $0x0  }
0x53: {  	s31 =	smax.u32 s30, $0x1;
	s20 =	sadd.s32 s23, s21;
	[sflag:s10] =	ssyncadd.s32 $0xFFFFF300  }
0x54: {  	[hbm4b:s20+s2] =	stream.linear.scatter [tilespmem:s6], [sflag:$0x3], $0xD000, $0x38;
	[tilespmem:$0xEA00] =	vst v63  }
0x55: {  	p0 =	sne.s32 s31, $0x1;
	_ =	swait.ge [sflag:s3], $0xD000  }
.Ltmp0:
0x56: {  	[sflag:s3] =	ssyncset.done $0x0;
	(pc) =	sbr.rel @!p0 .LBB2_2-.Ltmp0, $4  }
0x57: {  	s21 =	sadd.s32 s22, s24;
	[sflag:s3] =	ssyncadd.s32 $0xFFFF3000  }
0x58: {  	[hbm4b:s21+s2] =	stream.linear.scatter [tilespmem:s8], [sflag:$0x3], $0xD00, $0x38;
	[tilespmem:$0xEA00] =	vst v63  }
0x59: {  	_ =	swait.ge [sflag:s3], $0xD00  }
0x5a: {  	s22 =	sadd.s32 $0xFFFFFFFF, s31;
	[sflag:s3] =	ssyncset.done $0x0  }
.LBB2_1:
0x5b: {  	p0 =	sne.s32 s22, $0x1;
	s22 =	sadd.s32 $0xFFFFFFFF, s22;
	[sflag:s3] =	ssyncadd.s32 $0xFFFFF300  }
0x5c: {  	[tilespmem:s2], [sflag:$0x3] =	stream.linear.gather [hbm4b:s4+s2], $0xD00, $0x38;
	[tilespmem:$0xEA00] =	vst v63  }
0x5d: {  	_ =	swait.ge [sflag:s3], $0xD00  }
0x5e: {  	[sflag:s3] =	ssyncset.done $0x0  }
0x5f: {  	[sflag:s3] =	ssyncadd.s32 $0xFFFFF300  }
0x60: {  	[tilespmem:s6], [sflag:$0x1] =	stream.indirect.gather [hbm4b:s5+s6], $0x10, s2, s6, $0xb8;
	[tilespmem:$0xEA00] =	vst v63  }
0x61: {  	_ = 	snop  }
0x62: {  	[tilespmem:s8], [sflag:$0x2] =	stream.indirect.gather [hbm4b:s7+s6], $0x1, s2, s6, $0xb8;
	[tilespmem:$0xEA00] =	vst v63  }
0x63: {  	_ =	swait.ge [sflag:s9], $0xD000  }
0x64: {  	[sflag:s9] =	ssyncset.done $0x0  }
0x65: {  	[sflag:s9] =	ssyncadd.s32 $0xFFFF3000  }
0x66: {  	_ =	swait.ge [sflag:s10], $0xD00  }
0x67: {  	[sflag:s10] =	ssyncset.done $0x0  }
0x68: {  	[sflag:s10] =	ssyncadd.s32 $0xFFFFF300  }
0x69: {  	[hbm4b:s11+s2] =	stream.linear.scatter [tilespmem:s6], [sflag:$0x3], $0xD000, $0x38;
	[tilespmem:$0xEA00] =	vst v63  }
0x6a: {  	_ =	swait.ge [sflag:s3], $0xD000  }
0x6b: {  	[sflag:s3] =	ssyncset.done $0x0  }
0x6c: {  	[sflag:s3] =	ssyncadd.s32 $0xFFFF3000  }
0x6d: {  	[hbm4b:s12+s2] =	stream.linear.scatter [tilespmem:s8], [sflag:$0x3], $0xD00, $0x38;
	[tilespmem:$0xEA00] =	vst v63  }
0x6e: {  	_ =	swait.ge [sflag:s3], $0xD00  }
0x6f: {  	[sflag:s3] =	ssyncset.done $0x0  }
0x70: {  	[sflag:s3] =	ssyncadd.s32 $0xFFFFF300  }
0x71: {  	[tilespmem:s2], [sflag:$0x3] =	stream.linear.gather [hbm4b:s13+s2], $0xD00, $0x38;
	[tilespmem:$0xEA00] =	vst v63  }
0x72: {  	_ =	swait.ge [sflag:s3], $0xD00  }
0x73: {  	[sflag:s3] =	ssyncset.done $0x0  }
0x74: {  	[sflag:s3] =	ssyncadd.s32 $0xFFFFF300  }
0x75: {  	[tilespmem:s6], [sflag:$0x1] =	stream.indirect.gather [hbm4b:s5+s6], $0x10, s2, s6, $0xb8;
	[tilespmem:$0xEA00] =	vst v63  }
0x76: {  	_ = 	snop  }
0x77: {  	[tilespmem:s8], [sflag:$0x2] =	stream.indirect.gather [hbm4b:s7+s6], $0x1, s2, s6, $0xb8;
	[tilespmem:$0xEA00] =	vst v63  }
0x78: {  	_ =	swait.ge [sflag:s9], $0xD000  }
0x79: {  	[sflag:s9] =	ssyncset.done $0x0  }
0x7a: {  	[sflag:s9] =	ssyncadd.s32 $0xFFFF3000  }
0x7b: {  	_ =	swait.ge [sflag:s10], $0xD00  }
0x7c: {  	[sflag:s10] =	ssyncset.done $0x0  }
0x7d: {  	[sflag:s10] =	ssyncadd.s32 $0xFFFFF300  }
0x7e: {  	[hbm4b:s14+s2] =	stream.linear.scatter [tilespmem:s6], [sflag:$0x3], $0xD000, $0x38;
	[tilespmem:$0xEA00] =	vst v63  }
0x7f: {  	_ =	swait.ge [sflag:s3], $0xD000  }
0x80: {  	[sflag:s3] =	ssyncset.done $0x0  }
0x81: {  	[sflag:s3] =	ssyncadd.s32 $0xFFFF3000  }
0x82: {  	[hbm4b:s15+s2] =	stream.linear.scatter [tilespmem:s8], [sflag:$0x3], $0xD00, $0x38;
	[tilespmem:$0xEA00] =	vst v63  }
0x83: {  	_ =	swait.ge [sflag:s3], $0xD00  }
0x84: {  	[sflag:s3] =	ssyncset.done $0x0  }
0x85: {  	[sflag:s3] =	ssyncadd.s32 $0xFFFFF300  }
0x86: {  	[tilespmem:s2], [sflag:$0x3] =	stream.linear.gather [hbm4b:s16+s2], $0xD00, $0x38;
	[tilespmem:$0xEA00] =	vst v63  }
0x87: {  	_ =	swait.ge [sflag:s3], $0xD00  }
0x88: {  	[sflag:s3] =	ssyncset.done $0x0  }
0x89: {  	[sflag:s3] =	ssyncadd.s32 $0xFFFFF300  }
0x8a: {  	[tilespmem:s6], [sflag:$0x1] =	stream.indirect.gather [hbm4b:s5+s6], $0x10, s2, s6, $0xb8;
	[tilespmem:$0xEA00] =	vst v63  }
0x8b: {  	_ = 	snop  }
0x8c: {  	[tilespmem:s8], [sflag:$0x2] =	stream.indirect.gather [hbm4b:s7+s6], $0x1, s2, s6, $0xb8;
	[tilespmem:$0xEA00] =	vst v63  }
0x8d: {  	_ =	swait.ge [sflag:s9], $0xD000  }
0x8e: {  	[sflag:s9] =	ssyncset.done $0x0  }
0x8f: {  	[sflag:s9] =	ssyncadd.s32 $0xFFFF3000  }
0x90: {  	_ =	swait.ge [sflag:s10], $0xD00  }
0x91: {  	[sflag:s10] =	ssyncset.done $0x0  }
0x92: {  	[sflag:s10] =	ssyncadd.s32 $0xFFFFF300  }
0x93: {  	[hbm4b:s17+s2] =	stream.linear.scatter [tilespmem:s6], [sflag:$0x3], $0xD000, $0x38;
	[tilespmem:$0xEA00] =	vst v63  }
0x94: {  	_ =	swait.ge [sflag:s3], $0xD000  }
0x95: {  	[sflag:s3] =	ssyncset.done $0x0  }
0x96: {  	[sflag:s3] =	ssyncadd.s32 $0xFFFF3000  }
0x97: {  	[hbm4b:s18+s2] =	stream.linear.scatter [tilespmem:s8], [sflag:$0x3], $0xD00, $0x38;
	[tilespmem:$0xEA00] =	vst v63  }
0x98: {  	_ =	swait.ge [sflag:s3], $0xD00  }
0x99: {  	[sflag:s3] =	ssyncset.done $0x0  }
0x9a: {  	[sflag:s3] =	ssyncadd.s32 $0xFFFFF300  }
0x9b: {  	[tilespmem:s2], [sflag:$0x3] =	stream.linear.gather [hbm4b:s19+s2], $0xD00, $0x38;
	[tilespmem:$0xEA00] =	vst v63  }
0x9c: {  	_ =	swait.ge [sflag:s3], $0xD00  }
0x9d: {  	[sflag:s3] =	ssyncset.done $0x0  }
0x9e: {  	[sflag:s3] =	ssyncadd.s32 $0xFFFFF300  }
0x9f: {  	[tilespmem:s6], [sflag:$0x1] =	stream.indirect.gather [hbm4b:s5+s6], $0x10, s2, s6, $0xb8;
	[tilespmem:$0xEA00] =	vst v63  }
0xa0: {  	_ = 	snop  }
0xa1: {  	[tilespmem:s8], [sflag:$0x2] =	stream.indirect.gather [hbm4b:s7+s6], $0x1, s2, s6, $0xb8;
	[tilespmem:$0xEA00] =	vst v63  }
0xa2: {  	_ =	swait.ge [sflag:s9], $0xD000  }
0xa3: {  	[sflag:s9] =	ssyncset.done $0x0  }
0xa4: {  	[sflag:s9] =	ssyncadd.s32 $0xFFFF3000  }
0xa5: {  	_ =	swait.ge [sflag:s10], $0xD00  }
0xa6: {  	[sflag:s10] =	ssyncset.done $0x0  }
0xa7: {  	[sflag:s10] =	ssyncadd.s32 $0xFFFFF300  }
0xa8: {  	[hbm4b:s20+s2] =	stream.linear.scatter [tilespmem:s6], [sflag:$0x3], $0xD000, $0x38;
	[tilespmem:$0xEA00] =	vst v63  }
0xa9: {  	_ =	swait.ge [sflag:s3], $0xD000  }
.Ltmp1:
0xaa: {  	[sflag:s3] =	ssyncset.done $0x0;
	(pc) =	sbr.rel @p0 .LBB2_1-.Ltmp1, $4  }
0xab: {  	[sflag:s3] =	ssyncadd.s32 $0xFFFF3000  }
0xac: {  	[hbm4b:s21+s2] =	stream.linear.scatter [tilespmem:s8], [sflag:$0x3], $0xD00, $0x38;
	[tilespmem:$0xEA00] =	vst v63  }
0xad: {  	_ =	swait.ge [sflag:s3], $0xD00  }
0xae: {  	[sflag:s3] =	ssyncset.done $0x0  }
.LBB2_2:
0xaf: {  	[sflag:s3] =	ssyncadd.s32 $0xFFFFF300  }
0xb0: {  	_ =	sfence.sel $0x180000  }
0xb1: {  	[bflag:$0x0] =	sbarrier.arrive $0xFFFF  }
0xb2: {  	p0 =	sne.s32 s0, $0x0;
	_ =	strace $0x90000047  }
0xb3: {  	s0 =	sadd.s32 @!p0 $0x100000, s1;
	[bflag:$0x2] =	sbarrier.arrive $0xFFFF  }
0xb4: {  	[sflag:s0] =	ssyncadd.tile.s32 @!p0 $0x1;
	_ =	shalt  }
.Lfunc_end2:
_tile_overlayer_lowered:
.L_overlay_start_2:
0xb5: {  	(tag) =	ssettag $0x2  }
0xb6: {  	s0 =	rddreg [dreg:$0x0];
	s2 =	stileid.u32  }
0xb7: {  	s1 =	rddreg [dreg:$0x1];
	p0 =	sne.s32 s2, $0x0  }
0xb8: {  	s3 =	rddreg [dreg:$0x2];
	[bflag:$0x3] =	sbarrier.arrive $0xFFFF;
	s2 =	simm.s32 @!p0 $0x1C03  }
0xb9: {  	[timem:s3], [sflag:s2] =	dma.local @!p0 [hbm:s0], s1  }
0xba: {  	s0 =	simm.s32 @!p0 $0x3  }
0xbb: {  	_ =	swait.ge @!p0 [sflag:s0], s1  }
0xbc: {  	s1 =	ssub.s32 @!p0 $0x0, s1;
	[sflag:s0] =	ssyncset.done @!p0 $0x0  }
0xbd: {  	[sflag:s0] =	ssyncadd.s32 @!p0 s1  }
0xbe: {  	[bflag:$0x3] =	sbarrier.arrive $0xFFFF  }
0xbf: {  	_ =	shalt  }

</sc_bundles>
